<compile_context>
chip_gen: v7x
topology: tpu7x:2x2x1
jax: 0.10.2.dev20260603
libtpu: 0.0.44.dev20260713+nightly
codegen_flags: <defaults>
</compile_context>

<pallas_src>
import functools

import jax
import jax.numpy as jnp
from jax import lax
from jax.experimental import pallas as pl
from jax.experimental.pallas import tpu as pltpu
from jax.experimental.pallas import tpu_sc as plsc

D = 192
K = 1024
EPS = 1e-5

ROWS_BLK = 896


def _conv(x, Wt, b, stride, pad):
    y = lax.conv_general_dilated(x, Wt, (stride, stride), ((pad, pad), (pad, pad)),
                                 dimension_numbers=('NCHW', 'OIHW', 'NCHW'))
    return y + b[None, :, None, None]


def _deconv(x, Wt, b, stride=2, pad=1, k=4):
    Wf = jnp.flip(Wt, (2, 3)).transpose(1, 0, 2, 3)
    q = k - 1 - pad
    y = lax.conv_general_dilated(x, Wf, (1, 1), ((q, q), (q, q)), lhs_dilation=(stride, stride),
                                 dimension_numbers=('NCHW', 'OIHW', 'NCHW'))
    return y + b[None, :, None, None]


def _bn(x, g, b):
    return g[None, :, None, None] * x / jnp.sqrt(1.0 + EPS) + b[None, :, None, None]


def _resblock(x, i, W3, b3, g1, be1, W1, b1, g2, be2):
    h = jax.nn.relu(x)
    h = _conv(h, W3[i], b3[i], 1, 1)
    h = _bn(h, g1[i], be1[i])
    h = jax.nn.relu(h)
    h = _conv(h, W1[i], b1[i], 1, 0)
    h = _bn(h, g2[i], be2[i])
    return x + h


def _vq_block_kernel(flat_ref, csq_ref, cb_ref, idx_ref):
    flat = flat_ref[...]
    m = jax.lax.dot_general(flat, cb_ref[...], (((1,), (1,)), ((), ())),
                            preferred_element_type=jnp.float32)
    sum1 = jnp.sum(flat * flat, axis=1, keepdims=True)
    d = (sum1 - 2.0 * m) + csq_ref[...]
    dmin = jnp.min(d, axis=1, keepdims=True)
    iota = jax.lax.broadcasted_iota(jnp.int32, (ROWS_BLK, K), 1)
    idx_ref[...] = jnp.min(jnp.where(d == dmin, iota, K), axis=1, keepdims=True)


def _vq_indices(flat, codebook):
    n = flat.shape[0]
    csq = jnp.sum(codebook ** 2, axis=1)[None, :]
    grid = n // ROWS_BLK
    idx = pl.pallas_call(
        _vq_block_kernel,
        grid=(grid,),
        in_specs=[
            pl.BlockSpec((ROWS_BLK, D), lambda i: (i, 0)),
            pl.BlockSpec((1, K), lambda i: (0, 0)),
            pl.BlockSpec((K, D), lambda i: (0, 0)),
        ],
        out_specs=pl.BlockSpec((ROWS_BLK, 1), lambda i: (i, 0)),
        out_shape=jax.ShapeDtypeStruct((n, 1), jnp.int32),
    )(flat, csq, codebook)
    return idx.reshape(n)


DPAD = 256


def _sc_gather(codebook, idx):
    n = idx.shape[0]
    table = jnp.pad(codebook, ((0, 0), (0, DPAD - D)))
    info = plsc.get_sparse_core_info()
    nw = info.num_cores * info.num_subcores
    b_per_w = n // nw
    n_chunks = 2
    chunk = b_per_w // n_chunks
    mesh = plsc.VectorSubcoreMesh(core_axis_name="c", subcore_axis_name="s")

    @functools.partial(
        pl.kernel, mesh=mesh,
        out_type=jax.ShapeDtypeStruct((n, DPAD), jnp.float32),
        scratch_types=[
            pltpu.VMEM((chunk,), jnp.int32),
            pltpu.VMEM((chunk, DPAD), jnp.float32),
            pltpu.SemaphoreType.DMA,
        ],
    )
    def gather_kernel(table_hbm, idx_hbm, out_hbm, idx_v, rows_v, sem):
        wid = lax.axis_index("s") * info.num_cores + lax.axis_index("c")
        for j in range(n_chunks):
            base = wid * b_per_w + j * chunk
            pltpu.sync_copy(idx_hbm.at[pl.ds(base, chunk)], idx_v)
            pltpu.async_copy(table_hbm.at[idx_v], rows_v, sem).wait()
            pltpu.sync_copy(rows_v, out_hbm.at[pl.ds(base, chunk)])

    return gather_kernel(table, idx)[:, :D]


def kernel(x, conv1_W, conv1_b, bn1_g, bn1_b, conv2_W, conv2_b,
           res_W3, res_b3, res_g1, res_be1, res_W1, res_b1, res_g2, res_be2,
           deconv1_W, deconv1_b, bn2_g, bn2_b, deconv2_W, deconv2_b, codebook):
    h = _conv(x, conv1_W, conv1_b, 2, 1)
    h = _bn(h, bn1_g, bn1_b)
    h = jax.nn.relu(h)
    h = _conv(h, conv2_W, conv2_b, 2, 1)
    h = _resblock(h, 0, res_W3, res_b3, res_g1, res_be1, res_W1, res_b1, res_g2, res_be2)
    z_e_x = _resblock(h, 1, res_W3, res_b3, res_g1, res_be1, res_W1, res_b1, res_g2, res_be2)
    z_e_perm = z_e_x.transpose(0, 2, 3, 1)
    flat = z_e_perm.reshape(-1, z_e_perm.shape[-1])
    idx = _vq_indices(flat, codebook)
    zq_flat = _sc_gather(codebook, idx)
    z_q_perm = zq_flat.reshape(z_e_perm.shape)
    z_q_x = z_q_perm.transpose(0, 3, 1, 2)
    z_q_x_st = z_e_x + lax.stop_gradient(z_q_x - z_e_x)
    h = _resblock(z_q_x_st, 2, res_W3, res_b3, res_g1, res_be1, res_W1, res_b1, res_g2, res_be2)
    h = _resblock(h, 3, res_W3, res_b3, res_g1, res_be1, res_W1, res_b1, res_g2, res_be2)
    h = jax.nn.relu(h)
    h = _deconv(h, deconv1_W, deconv1_b, 2, 1, 4)
    h = _bn(h, bn2_g, bn2_b)
    h = jax.nn.relu(h)
    h = _deconv(h, deconv2_W, deconv2_b, 2, 1, 4)
    x_tilde = jnp.tanh(h)
    return (x_tilde, z_e_x, z_q_x)

# --- scband reference (transcript-rebuilt; emitter-appended) ---
"""Pipeline reference for scband-topic-vector-quantized-vae-64613488001057 (READ-ONLY COPY).

The authoritative reference and input builder live on the scoring server;
editing this copy changes nothing except your own understanding.
"""

import jax, jax.numpy as jnp
import numpy as np
from jax import lax

B, C, H, W = 8, 3, 224, 224
D = 192
K = 1024
EPS = 1e-5


def _conv(x, Wt, b, stride, pad):
    y = lax.conv_general_dilated(x, Wt, (stride, stride), ((pad, pad), (pad, pad)),
                                 dimension_numbers=('NCHW', 'OIHW', 'NCHW'))
    return y + b[None, :, None, None]


def _deconv(x, Wt, b, stride=2, pad=1, k=4):
    # torch ConvTranspose2d weight is [C_in, C_out, kh, kw]; flip spatial, swap in/out
    Wf = jnp.flip(Wt, (2, 3)).transpose(1, 0, 2, 3)
    q = k - 1 - pad
    y = lax.conv_general_dilated(x, Wf, (1, 1), ((q, q), (q, q)), lhs_dilation=(stride, stride),
                                 dimension_numbers=('NCHW', 'OIHW', 'NCHW'))
    return y + b[None, :, None, None]


def _bn(x, g, b):
    # eval-mode BatchNorm2d: running_mean=0, running_var=1
    return g[None, :, None, None] * x / jnp.sqrt(1.0 + EPS) + b[None, :, None, None]


def _resblock(x, i, W3, b3, g1, be1, W1, b1, g2, be2):
    h = jax.nn.relu(x)
    h = _conv(h, W3[i], b3[i], 1, 1)
    h = _bn(h, g1[i], be1[i])
    h = jax.nn.relu(h)
    h = _conv(h, W1[i], b1[i], 1, 0)
    h = _bn(h, g2[i], be2[i])
    return x + h


def _forward(x, conv1_W, conv1_b, bn1_g, bn1_b, conv2_W, conv2_b,
             res_W3, res_b3, res_g1, res_be1, res_W1, res_b1, res_g2, res_be2,
             deconv1_W, deconv1_b, bn2_g, bn2_b, deconv2_W, deconv2_b, codebook):
    # Encoder
    h = _conv(x, conv1_W, conv1_b, 2, 1)
    h = _bn(h, bn1_g, bn1_b)
    h = jax.nn.relu(h)
    h = _conv(h, conv2_W, conv2_b, 2, 1)
    h = _resblock(h, 0, res_W3, res_b3, res_g1, res_be1, res_W1, res_b1, res_g2, res_be2)
    z_e_x = _resblock(h, 1, res_W3, res_b3, res_g1, res_be1, res_W1, res_b1, res_g2, res_be2)
    # Vector quantization (codebook lookup by nearest neighbor)
    z_e_perm = z_e_x.transpose(0, 2, 3, 1)  # NHWC
    flat = z_e_perm.reshape(-1, z_e_perm.shape[-1])
    d = (jnp.sum(flat ** 2, axis=1, keepdims=True)
         - 2.0 * flat @ codebook.T
         + jnp.sum(codebook ** 2, axis=1)[None, :])
    idx = jnp.argmin(d, axis=1)
    zq_flat = jnp.take(codebook, idx, axis=0)
    z_q_perm = zq_flat.reshape(z_e_perm.shape)
    z_q_x = z_q_perm.transpose(0, 3, 1, 2)
    # straight-through estimator
    z_q_x_st = z_e_x + lax.stop_gradient(z_q_x - z_e_x)
    # Decoder
    h = _resblock(z_q_x_st, 2, res_W3, res_b3, res_g1, res_be1, res_W1, res_b1, res_g2, res_be2)
    h = _resblock(h, 3, res_W3, res_b3, res_g1, res_be1, res_W1, res_b1, res_g2, res_be2)
    h = jax.nn.relu(h)
    h = _deconv(h, deconv1_W, deconv1_b, 2, 1, 4)
    h = _bn(h, bn2_g, bn2_b)
    h = jax.nn.relu(h)
    h = _deconv(h, deconv2_W, deconv2_b, 2, 1, 4)
    x_tilde = jnp.tanh(h)
    return (x_tilde, z_e_x, z_q_x)


def setup_inputs(seed: int = 0):
    key = jax.random.key(seed)
    ks = jax.random.split(key, 10)
    inp = {}
    inp['x'] = jax.random.normal(ks[0], (B, C, H, W), dtype=jnp.float32)
    inp['conv1_W'] = jax.random.normal(ks[1], (D, C, 4, 4), dtype=jnp.float32) * 0.05
    inp['conv1_b'] = jnp.zeros((D,), jnp.float32)
    inp['bn1_g'] = jnp.ones((D,), jnp.float32)
    inp['bn1_b'] = jnp.zeros((D,), jnp.float32)
    inp['conv2_W'] = jax.random.normal(ks[2], (D, D, 4, 4), dtype=jnp.float32) * 0.02
    inp['conv2_b'] = jnp.zeros((D,), jnp.float32)
    inp['res_W3'] = jax.random.normal(ks[3], (4, D, D, 3, 3), dtype=jnp.float32) * 0.02
    inp['res_b3'] = jnp.zeros((4, D), jnp.float32)
    inp['res_g1'] = jnp.ones((4, D), jnp.float32)
    inp['res_be1'] = jnp.zeros((4, D), jnp.float32)
    inp['res_W1'] = jax.random.normal(ks[4], (4, D, D, 1, 1), dtype=jnp.float32) * 0.05
    inp['res_b1'] = jnp.zeros((4, D), jnp.float32)
    inp['res_g2'] = jnp.ones((4, D), jnp.float32)
    inp['res_be2'] = jnp.zeros((4, D), jnp.float32)
    inp['deconv1_W'] = jax.random.normal(ks[5], (D, D, 4, 4), dtype=jnp.float32) * 0.02
    inp['deconv1_b'] = jnp.zeros((D,), jnp.float32)
    inp['bn2_g'] = jnp.ones((D,), jnp.float32)
    inp['bn2_b'] = jnp.zeros((D,), jnp.float32)
    inp['deconv2_W'] = jax.random.normal(ks[6], (D, C, 4, 4), dtype=jnp.float32) * 0.05
    inp['deconv2_b'] = jnp.zeros((C,), jnp.float32)
    inp['codebook'] = jax.random.uniform(ks[7], (K, D), jnp.float32, -1.0 / K, 1.0 / K)
    return inp


def reference(x, conv1_W, conv1_b, bn1_g, bn1_b, conv2_W, conv2_b,
              res_W3, res_b3, res_g1, res_be1, res_W1, res_b1, res_g2, res_be2,
              deconv1_W, deconv1_b, bn2_g, bn2_b, deconv2_W, deconv2_b, codebook):
    return _forward(x, conv1_W, conv1_b, bn1_g, bn1_b, conv2_W, conv2_b,
                    res_W3, res_b3, res_g1, res_be1, res_W1, res_b1, res_g2, res_be2,
                    deconv1_W, deconv1_b, bn2_g, bn2_b, deconv2_W, deconv2_b, codebook)

if __name__ == "__main__":
    import jax
    _d = setup_inputs()
    print(jax.jit(kernel)(*tuple(_d.values())))

</pallas_src>

<mosaic_0001>
#map = affine_map<(d0, d1) -> (0, 0)>
#map1 = affine_map<(d0, d1) -> (0)>
module attributes {stable_mosaic.version = 14 : i64} {
  func.func @gather_kernel(%arg0: i32, %arg1: i32, %arg2: memref<1024x256xf32, #tpu.memory_space<hbm>>, %arg3: memref<25088xi32, #tpu.memory_space<hbm>>, %arg4: memref<25088x256xf32, #tpu.memory_space<hbm>>, %arg5: memref<392xi32, #tpu.memory_space<vmem>>, %arg6: memref<392x256xf32, #tpu.memory_space<vmem>>, %arg7: memref<!tpu.dma_semaphore, #tpu.memory_space<semaphore_mem>>) attributes {dimension_semantics = [#tpu.dimension_semantics<core_parallel>, #tpu.dimension_semantics<subcore_parallel>], iteration_bounds = array<i64: 2, 16>, scalar_prefetch = 0 : i64, scratch_operands = 3 : i64, tpu.core_type = #tpu.core_type<sc_vector_subcore>, window_params = [{transform_indices = #map}, {transform_indices = #map1}, {transform_indices = #map}]} {
    %mul3A = arith.constant 2 : i32
    %mul3A_0 = arith.muli %arg1, %mul3A : i32
    %add3A = arith.addi %mul3A_0, %arg0 : i32
    %mul3A_1 = arith.constant 784 : i32
    %mul3A_2 = arith.muli %add3A, %mul3A_1 : i32
    %add3A_3 = arith.constant 0 : i32
    %add3A_4 = arith.addi %mul3A_2, %add3A_3 : i32
    "tpu.region"() ({
      %run_scoped3A = tpu.sem_alloc : memref<!tpu.dma_semaphore, #tpu.memory_space<semaphore_mem>>
      %dma_start3A_19 = tpu.memref_slice %arg3[%add3A_4] : memref<25088xi32, #tpu.memory_space<hbm>> -> memref<392xi32, #tpu.memory_space<hbm>>
      %dma_start3A_20 = tpu.memref_slice %arg3[%add3A_4] : memref<25088xi32, #tpu.memory_space<hbm>> -> memref<392xi32, #tpu.memory_space<hbm>>
      tpu.enqueue_dma source(%dma_start3A_20 : memref<392xi32, #tpu.memory_space<hbm>>) target(%arg5 : memref<392xi32, #tpu.memory_space<vmem>>) target_semaphore(%run_scoped3A : memref<!tpu.dma_semaphore, #tpu.memory_space<semaphore_mem>>)
      %dma_wait3A_21 = tpu.memref_slice %arg3[%add3A_4] : memref<25088xi32, #tpu.memory_space<hbm>> -> memref<392xi32, #tpu.memory_space<hbm>>
      %dma_wait3A_22 = tpu.memref_slice %arg3[%add3A_4] : memref<25088xi32, #tpu.memory_space<hbm>> -> memref<392xi32, #tpu.memory_space<hbm>>
      tpu.wait_dma2 semaphore(%run_scoped3A : memref<!tpu.dma_semaphore, #tpu.memory_space<semaphore_mem>>) src(%dma_wait3A_22 : memref<392xi32, #tpu.memory_space<hbm>>) dst(%arg5 : memref<392xi32, #tpu.memory_space<vmem>>)
      tpu.yield
    }) : () -> ()
    %dma_start3A = arith.constant 0 : i32
    %dma_start3A_5 = arith.constant 0 : i32
    %dma_start3A_6 = tpu.memref_slice %arg2[%dma_start3A, %dma_start3A_5] : memref<1024x256xf32, #tpu.memory_space<hbm>> -> memref<1024x256xf32, #tpu.memory_space<hbm>>
    tpu.enqueue_indirect_dma source(%dma_start3A_6 : memref<1024x256xf32, #tpu.memory_space<hbm>>) target(%arg6 : memref<392x256xf32, #tpu.memory_space<vmem>>) offsets(%arg5 : memref<392xi32, #tpu.memory_space<vmem>>) semaphore(%arg7 : memref<!tpu.dma_semaphore, #tpu.memory_space<semaphore_mem>>)
    %dma_wait3A = arith.constant 0 : i32
    %dma_wait3A_7 = arith.constant 0 : i32
    %dma_wait3A_8 = tpu.memref_slice %arg2[%dma_wait3A, %dma_wait3A_7] : memref<1024x256xf32, #tpu.memory_space<hbm>> -> memref<1024x256xf32, #tpu.memory_space<hbm>>
    tpu.wait_indirect_dma semaphore(%arg7 : memref<!tpu.dma_semaphore, #tpu.memory_space<semaphore_mem>>) src(%dma_wait3A_8 : memref<1024x256xf32, #tpu.memory_space<hbm>>) dst(%arg6 : memref<392x256xf32, #tpu.memory_space<vmem>>)
    "tpu.region"() ({
      %run_scoped3A = tpu.sem_alloc : memref<!tpu.dma_semaphore, #tpu.memory_space<semaphore_mem>>
      %dma_start3A_19 = arith.constant 0 : i32
      %dma_start3A_20 = tpu.memref_slice %arg4[%add3A_4, %dma_start3A_19] : memref<25088x256xf32, #tpu.memory_space<hbm>> -> memref<392x256xf32, #tpu.memory_space<hbm>>
      %dma_start3A_21 = arith.constant 0 : i32
      %dma_start3A_22 = tpu.memref_slice %arg4[%add3A_4, %dma_start3A_21] : memref<25088x256xf32, #tpu.memory_space<hbm>> -> memref<392x256xf32, #tpu.memory_space<hbm>>
      tpu.enqueue_dma source(%arg6 : memref<392x256xf32, #tpu.memory_space<vmem>>) target(%dma_start3A_22 : memref<392x256xf32, #tpu.memory_space<hbm>>) target_semaphore(%run_scoped3A : memref<!tpu.dma_semaphore, #tpu.memory_space<semaphore_mem>>)
      %dma_wait3A_23 = arith.constant 0 : i32
      %dma_wait3A_24 = tpu.memref_slice %arg4[%add3A_4, %dma_wait3A_23] : memref<25088x256xf32, #tpu.memory_space<hbm>> -> memref<392x256xf32, #tpu.memory_space<hbm>>
      %dma_wait3A_25 = arith.constant 0 : i32
      %dma_wait3A_26 = tpu.memref_slice %arg4[%add3A_4, %dma_wait3A_25] : memref<25088x256xf32, #tpu.memory_space<hbm>> -> memref<392x256xf32, #tpu.memory_space<hbm>>
      tpu.wait_dma2 semaphore(%run_scoped3A : memref<!tpu.dma_semaphore, #tpu.memory_space<semaphore_mem>>) src(%arg6 : memref<392x256xf32, #tpu.memory_space<vmem>>) dst(%dma_wait3A_26 : memref<392x256xf32, #tpu.memory_space<hbm>>)
      tpu.yield
    }) : () -> ()
    %mul3A_9 = arith.constant 784 : i32
    %mul3A_10 = arith.muli %add3A, %mul3A_9 : i32
    %add3A_11 = arith.constant 392 : i32
    %add3A_12 = arith.addi %mul3A_10, %add3A_11 : i32
    "tpu.region"() ({
      %run_scoped3A = tpu.sem_alloc : memref<!tpu.dma_semaphore, #tpu.memory_space<semaphore_mem>>
      %dma_start3A_19 = tpu.memref_slice %arg3[%add3A_12] : memref<25088xi32, #tpu.memory_space<hbm>> -> memref<392xi32, #tpu.memory_space<hbm>>
      %dma_start3A_20 = tpu.memref_slice %arg3[%add3A_12] : memref<25088xi32, #tpu.memory_space<hbm>> -> memref<392xi32, #tpu.memory_space<hbm>>
      tpu.enqueue_dma source(%dma_start3A_20 : memref<392xi32, #tpu.memory_space<hbm>>) target(%arg5 : memref<392xi32, #tpu.memory_space<vmem>>) target_semaphore(%run_scoped3A : memref<!tpu.dma_semaphore, #tpu.memory_space<semaphore_mem>>)
      %dma_wait3A_21 = tpu.memref_slice %arg3[%add3A_12] : memref<25088xi32, #tpu.memory_space<hbm>> -> memref<392xi32, #tpu.memory_space<hbm>>
      %dma_wait3A_22 = tpu.memref_slice %arg3[%add3A_12] : memref<25088xi32, #tpu.memory_space<hbm>> -> memref<392xi32, #tpu.memory_space<hbm>>
      tpu.wait_dma2 semaphore(%run_scoped3A : memref<!tpu.dma_semaphore, #tpu.memory_space<semaphore_mem>>) src(%dma_wait3A_22 : memref<392xi32, #tpu.memory_space<hbm>>) dst(%arg5 : memref<392xi32, #tpu.memory_space<vmem>>)
      tpu.yield
    }) : () -> ()
    %dma_start3A_13 = arith.constant 0 : i32
    %dma_start3A_14 = arith.constant 0 : i32
    %dma_start3A_15 = tpu.memref_slice %arg2[%dma_start3A_13, %dma_start3A_14] : memref<1024x256xf32, #tpu.memory_space<hbm>> -> memref<1024x256xf32, #tpu.memory_space<hbm>>
    tpu.enqueue_indirect_dma source(%dma_start3A_15 : memref<1024x256xf32, #tpu.memory_space<hbm>>) target(%arg6 : memref<392x256xf32, #tpu.memory_space<vmem>>) offsets(%arg5 : memref<392xi32, #tpu.memory_space<vmem>>) semaphore(%arg7 : memref<!tpu.dma_semaphore, #tpu.memory_space<semaphore_mem>>)
    %dma_wait3A_16 = arith.constant 0 : i32
    %dma_wait3A_17 = arith.constant 0 : i32
    %dma_wait3A_18 = tpu.memref_slice %arg2[%dma_wait3A_16, %dma_wait3A_17] : memref<1024x256xf32, #tpu.memory_space<hbm>> -> memref<1024x256xf32, #tpu.memory_space<hbm>>
    tpu.wait_indirect_dma semaphore(%arg7 : memref<!tpu.dma_semaphore, #tpu.memory_space<semaphore_mem>>) src(%dma_wait3A_18 : memref<1024x256xf32, #tpu.memory_space<hbm>>) dst(%arg6 : memref<392x256xf32, #tpu.memory_space<vmem>>)
    "tpu.region"() ({
      %run_scoped3A = tpu.sem_alloc : memref<!tpu.dma_semaphore, #tpu.memory_space<semaphore_mem>>
      %dma_start3A_19 = arith.constant 0 : i32
      %dma_start3A_20 = tpu.memref_slice %arg4[%add3A_12, %dma_start3A_19] : memref<25088x256xf32, #tpu.memory_space<hbm>> -> memref<392x256xf32, #tpu.memory_space<hbm>>
      %dma_start3A_21 = arith.constant 0 : i32
      %dma_start3A_22 = tpu.memref_slice %arg4[%add3A_12, %dma_start3A_21] : memref<25088x256xf32, #tpu.memory_space<hbm>> -> memref<392x256xf32, #tpu.memory_space<hbm>>
      tpu.enqueue_dma source(%arg6 : memref<392x256xf32, #tpu.memory_space<vmem>>) target(%dma_start3A_22 : memref<392x256xf32, #tpu.memory_space<hbm>>) target_semaphore(%run_scoped3A : memref<!tpu.dma_semaphore, #tpu.memory_space<semaphore_mem>>)
      %dma_wait3A_23 = arith.constant 0 : i32
      %dma_wait3A_24 = tpu.memref_slice %arg4[%add3A_12, %dma_wait3A_23] : memref<25088x256xf32, #tpu.memory_space<hbm>> -> memref<392x256xf32, #tpu.memory_space<hbm>>
      %dma_wait3A_25 = arith.constant 0 : i32
      %dma_wait3A_26 = tpu.memref_slice %arg4[%add3A_12, %dma_wait3A_25] : memref<25088x256xf32, #tpu.memory_space<hbm>> -> memref<392x256xf32, #tpu.memory_space<hbm>>
      tpu.wait_dma2 semaphore(%run_scoped3A : memref<!tpu.dma_semaphore, #tpu.memory_space<semaphore_mem>>) src(%arg6 : memref<392x256xf32, #tpu.memory_space<vmem>>) dst(%dma_wait3A_26 : memref<392x256xf32, #tpu.memory_space<hbm>>)
      tpu.yield
    }) : () -> ()
    return
  }
}

module attributes {stable_mosaic.version = 14 : i64} {
  func.func @_vq_block_kernel(%arg0: i32, %arg1: memref<896x192xf32, #tpu.memory_space<vmem>>, %arg2: memref<1x1024xf32, #tpu.memory_space<vmem>>, %arg3: memref<1024x192xf32, #tpu.memory_space<vmem>>, %arg4: memref<896x1xi32, #tpu.memory_space<vmem>>) attributes {dimension_semantics = [#tpu.dimension_semantics<arbitrary>], iteration_bounds = array<i64: 28>, scalar_prefetch = 0 : i64, scratch_operands = 0 : i64, tpu.core_type = #tpu.core_type<tc>, window_params = [{transform_indices = @transform_0, window_bounds = array<i64: 896, 192>}, {pipeline_mode = #tpu.pipeline_mode<synchronous>, transform_indices = @transform_1, window_bounds = array<i64: 1, 1024>}, {pipeline_mode = #tpu.pipeline_mode<synchronous>, transform_indices = @transform_2, window_bounds = array<i64: 1024, 192>}, {transform_indices = @transform_3, window_bounds = array<i64: 896, 1>}]} {
    %get3A = arith.constant 0 : index
    %get3A_0 = arith.constant 0 : index
    %get3A_1 = vector.load %arg1[%get3A, %get3A_0] : memref<896x192xf32, #tpu.memory_space<vmem>>, vector<896x192xf32>
    %get3A_2 = arith.constant 0 : index
    %get3A_3 = arith.constant 0 : index
    %get3A_4 = vector.load %arg3[%get3A_2, %get3A_3] : memref<1024x192xf32, #tpu.memory_space<vmem>>, vector<1024x192xf32>
    %dot_general3A = arith.constant dense<0.000000e+00> : vector<896x1024xf32>
    %dot_general3A_5 = tpu.matmul %get3A_1, %get3A_4, %dot_general3A {dimension_numbers = #tpu.dot_dimension_numbers<[1], [1], [0], [0], [0, 0, 1, 0], [], []>, transpose_lhs_hint = false} : vector<896x192xf32>, vector<1024x192xf32>, vector<896x1024xf32> -> vector<896x1024xf32>
    %mul3A = arith.mulf %get3A_1, %get3A_1 : vector<896x192xf32>
    %reduce_sum3A = arith.constant dense<0.000000e+00> : vector<896xf32>
    %reduce_sum3A_6 = vector.multi_reduction <add>, %mul3A, %reduce_sum3A [1] : vector<896x192xf32> to vector<896xf32>
    %broadcast_in_dim3A = vector.shape_cast %reduce_sum3A_6 : vector<896xf32> to vector<896x1xf32>
    %mul3A_7 = arith.constant 2.000000e+00 : f32
    %mul3A_8 = vector.broadcast %mul3A_7 : f32 to vector<896x1024xf32>
    %mul3A_9 = arith.mulf %mul3A_8, %dot_general3A_5 : vector<896x1024xf32>
    %sub3A = vector.broadcast %broadcast_in_dim3A : vector<896x1xf32> to vector<896x1024xf32>
    %sub3A_10 = arith.subf %sub3A, %mul3A_9 : vector<896x1024xf32>
    %get3A_11 = arith.constant 0 : index
    %get3A_12 = arith.constant 0 : index
    %get3A_13 = vector.load %arg2[%get3A_11, %get3A_12] : memref<1x1024xf32, #tpu.memory_space<vmem>>, vector<1x1024xf32>
    %add3A = vector.broadcast %get3A_13 : vector<1x1024xf32> to vector<896x1024xf32>
    %add3A_14 = arith.addf %sub3A_10, %add3A : vector<896x1024xf32>
    %reduce_min3A = arith.constant dense<0x7F800000> : vector<896xf32>
    %reduce_min3A_15 = vector.multi_reduction <minimumf>, %add3A_14, %reduce_min3A [1] : vector<896x1024xf32> to vector<896xf32>
    %broadcast_in_dim3A_16 = vector.shape_cast %reduce_min3A_15 : vector<896xf32> to vector<896x1xf32>
    %iota3A = tpu.iota {dimensions = array<i32: 1>} : vector<896x1024xi32>
    %eq3A = vector.broadcast %broadcast_in_dim3A_16 : vector<896x1xf32> to vector<896x1024xf32>
    %eq3A_17 = arith.cmpf oeq, %add3A_14, %eq3A : vector<896x1024xf32>
    %jit3A = arith.constant 1024 : i32
    %broadcast_in_dim3A_18 = vector.broadcast %jit3A : i32 to vector<896x1024xi32>
    %select_n3A = arith.select %eq3A_17, %iota3A, %broadcast_in_dim3A_18 : vector<896x1024xi1>, vector<896x1024xi32>
    %reduce_min3A_19 = arith.constant dense<2147483647> : vector<896xi32>
    %reduce_min3A_20 = vector.multi_reduction <minsi>, %select_n3A, %reduce_min3A_19 [1] : vector<896x1024xi32> to vector<896xi32>
    %broadcast_in_dim3A_21 = vector.shape_cast %reduce_min3A_20 : vector<896xi32> to vector<896x1xi32>
    %swap3A = arith.constant 0 : index
    %swap3A_22 = arith.constant 0 : index
    %swap3A_23 = vector.load %arg4[%swap3A, %swap3A_22] : memref<896x1xi32, #tpu.memory_space<vmem>>, vector<896x1xi32>
    tpu.vector_store %arg4[%swap3A, %swap3A_22], %broadcast_in_dim3A_21 {strides = array<i32>} : memref<896x1xi32, #tpu.memory_space<vmem>>, vector<896x1xi32>,
    return
  }
  func.func @transform_0(%arg0: i32) -> (i32, i32) {
    %c0_i32 = arith.constant 0 : i32
    %c0_i32_0 = arith.constant 0 : i32
    return %arg0, %c0_i32 : i32, i32
  }
  func.func @transform_1(%arg0: i32) -> (i32, i32) {
    %c0_i32 = arith.constant 0 : i32
    %c0_i32_0 = arith.constant 0 : i32
    %c0_i32_1 = arith.constant 0 : i32
    return %c0_i32, %c0_i32_0 : i32, i32
  }
  func.func @transform_2(%arg0: i32) -> (i32, i32) {
    %c0_i32 = arith.constant 0 : i32
    %c0_i32_0 = arith.constant 0 : i32
    %c0_i32_1 = arith.constant 0 : i32
    return %c0_i32, %c0_i32_0 : i32, i32
  }
  func.func @transform_3(%arg0: i32) -> (i32, i32) {
    %c0_i32 = arith.constant 0 : i32
    %c0_i32_0 = arith.constant 0 : i32
    return %arg0, %c0_i32 : i32, i32
  }
}

</mosaic_0001>

<sc_bundles>
// kernel: kernel.4.cloned.1.call-start
scs
__scs_entry_jumppad:
0x0: {  	(pc) =	sbr.rel $0x88, $3  }
0x1: {  	(tag) =	ssettag $0x0;
	lr =	simm.s32 $0x1  }
0x2: {  	[smem:$0x3F8B] =	sst lr;
	_ =	strace $0xD0000000  }
0x3: {  	_ = 	snop  }
0x4: {  	_ = 	snop  }
0x5: {  	_ = 	snop  }
0x6: {  	_ = 	snop  }
0x7: {  	_ = 	snop  }
__scs_overlays_trampoline_lowered:
0x8: {  	[smem:$0x3F9A] =	sst s0  }
0x9: {  	[smem:$0x3F9B] =	sst s1  }
0xa: {  	[smem:$0x3F9C] =	sst s2  }
0xb: {  	[smem:$0x3F9D] =	sst s3  }
0xc: {  	[smem:$0x3F9E] =	sst s4  }
0xd: {  	[smem:$0x3F9F] =	sst s5  }
0xe: {  	[smem:$0x3FA0] =	sst s6  }
0xf: {  	[smem:$0x3FA1] =	sst s7  }
0x10: {  	[smem:$0x3FA2] =	sst s8  }
0x11: {  	[smem:$0x3FA3] =	sst s9;
	s0 =	simm.s32 @!p0 $0x0  }
0x12: {  	s1 =	sld [smem:$0x3F89];
	s0 =	simm.s32 @p0 $0x1  }
0x13: {  	[smem:$0x3FA4] =	sst s0;
	s0 =	simm.s32 @!p1 $0x0  }
0x14: {  	s2 =	sld [smem:$0x3F88];
	s0 =	simm.s32 @p1 $0x1  }
0x15: {  	[smem:$0x3FA5] =	sst s0;
	s0 =	simm.s32 @!p2 $0x0  }
0x16: {  	s3 =	sld [smem:$0x3FDB];
	s0 =	simm.s32 @p2 $0x1  }
0x17: {  	s4 =	simm.s32 $0x1BF5;
	[smem:$0x3FA7] =	sst s0  }
0x18: {  	s0 =	sld [smem:$0x3F8A];
	_ =	swait.ge [sflag:s4], $0x0  }
0x19: {  	s7 =	sld [smem:$0x3F8B]  }
0x1a: {  	s8 =	sadd.s32 $0xFFFFE003, lr  }
0x1b: {  	s9 =	sadd.s32 $0xFFFFFEF7, lr;
	s5 =	simm.s32 $0xFFFFFFFF;
	p2 =	slt.u32 s8, $0xFFFFF086  }
0x1c: {  	p1 =	slt.u32 s9, $0xF7A;
	s5 =	simm.s32 @!p2 $0x0  }
0x1d: {  	s5 =	simm.s32 @p1 $0x1;
	p0 =	seq.s32 s7, s2  }
0x1e: {  	s7 =	smul.u32 @!p0 $0xF7A, s2;
	p2 =	seq.s32 @!p0 s5, $0x0  }
0x1f: {  	s9 =	smul.u32 $0xF7A, s1;
	s8 =	simm.s32 @!p0 $0x1BF5;
	p2 =	por !p2, p0  }
0x20: {  	[sflag:s8] =	ssyncset.s32 @!p0 $0xFFFFF086;
	s6 =	sadd.s32 @!p0 s3, s7;
	s7 =	simm.s32 @!p0 $0x108  }
0x21: {  	s3 =	sadd.s32 s3, s9;
	s6 =	sadd.s32 @!p0 $0x88, s6;
	s7 =	simm.s32 @p2 $0x1082  }
0x22: {  	[simem:s7], [sflag:s8] =	dma.local @!p0 [hbm:s6], $0xF7A  }
0x23: {  	s9 =	sor.u32 $0xD0000000, s2;
	s6 =	simm.s32 $0x108;
	_ =	swait.ge @!p0 [sflag:s8], $0x0  }
0x24: {  	s3 =	sadd.s32 $0x88, s3;
	s6 =	simm.s32 @!p1 $0x1082;
	[sflag:s4] =	ssyncset.s32 $0xFFFFF086  }
0x25: {  	[simem:s6], [sflag:s4] =	dma.local [hbm:s3], $0xF7A  }
0x26: {  	[smem:$0x3F8B] =	sst s1;
	(tag) =	ssettag s2;
	_ =	strace s9  }
0x27: {  	s1 =	sld [smem:$0x3F9B]  }
0x28: {  	s2 =	sld [smem:$0x3F9C]  }
0x29: {  	s4 =	sld [smem:$0x3F9E]  }
0x2a: {  	p0 =	seq.s32 s5, $0x0;
	s5 =	sld [smem:$0x3F9F]  }
0x2b: {  	s6 =	sld [smem:$0x3FA0]  }
0x2c: {  	s7 =	sld [smem:$0x3FA1]  }
0x2d: {  	s3 =	simm.s32 $0x108;
	s8 =	sld [smem:$0x3FA2]  }
0x2e: {  	s3 =	simm.s32 @!p0 $0x1082;
	s9 =	sld [smem:$0x3FA3]  }
0x2f: {  	lr =	sadd.s32 s0, s3;
	s0 =	sld [smem:$0x3F9A]  }
0x30: {  	s3 =	sld [smem:$0x3F9D]  }
0x31: {  	[smem:$0x3FA6] =	sst s10  }
0x32: {  	s10 =	sld [smem:$0x3FA4];
	_ =	sdelay $0x3  }
0x33: {  	p0 =	seq.s32 s10, $0x1;
	s10 =	sld [smem:$0x3FA6];
	_ =	sdelay $0x3  }
0x34: {  	[smem:$0x3FA6] =	sst s10  }
0x35: {  	s10 =	sld [smem:$0x3FA5];
	_ =	sdelay $0x3  }
0x36: {  	p1 =	seq.s32 s10, $0x1;
	s10 =	sld [smem:$0x3FA6];
	_ =	sdelay $0x3  }
0x37: {  	[smem:$0x3FA6] =	sst s10  }
0x38: {  	s10 =	sld [smem:$0x3FA7]  }
0x39: {  	_ = 	snop;
	(pc) =	sbr.ind lr, $3  }
0x3a: {  	_ = 	snop  }
0x3b: {  	_ = 	snop  }
0x3c: {  	p2 =	seq.s32 s10, $0x1;
	s10 =	sld [smem:$0x3FA6]  }
0x3d: {  	_ =	shalt  }
0x3e: {  	_ =	shalt  }
0x3f: {  	_ =	shalt  }
0x40: {  	_ =	shalt  }
0x41: {  	_ =	shalt  }
0x42: {  	_ =	shalt  }
0x43: {  	_ =	shalt  }
0x44: {  	_ =	shalt  }
0x45: {  	_ =	shalt  }
0x46: {  	_ =	shalt  }
0x47: {  	_ =	shalt  }
0x48: {  	_ =	shalt  }
0x49: {  	_ =	shalt  }
0x4a: {  	_ =	shalt  }
0x4b: {  	_ =	shalt  }
0x4c: {  	_ =	shalt  }
0x4d: {  	_ =	shalt  }
0x4e: {  	_ =	shalt  }
0x4f: {  	_ =	shalt  }
0x50: {  	_ =	shalt  }
0x51: {  	_ =	shalt  }
0x52: {  	_ =	shalt  }
0x53: {  	_ =	shalt  }
0x54: {  	_ =	shalt  }
0x55: {  	_ =	shalt  }
0x56: {  	_ =	shalt  }
0x57: {  	_ =	shalt  }
0x58: {  	_ =	shalt  }
0x59: {  	_ =	shalt  }
0x5a: {  	_ =	shalt  }
0x5b: {  	_ =	shalt  }
0x5c: {  	_ =	shalt  }
0x5d: {  	_ =	shalt  }
0x5e: {  	_ =	shalt  }
0x5f: {  	_ =	shalt  }
0x60: {  	_ =	shalt  }
0x61: {  	_ =	shalt  }
0x62: {  	_ =	shalt  }
0x63: {  	_ =	shalt  }
0x64: {  	_ =	shalt  }
0x65: {  	_ =	shalt  }
0x66: {  	_ =	shalt  }
0x67: {  	_ =	shalt  }
0x68: {  	_ =	shalt  }
0x69: {  	_ =	shalt  }
0x6a: {  	_ =	shalt  }
0x6b: {  	_ =	shalt  }
0x6c: {  	_ =	shalt  }
0x6d: {  	_ =	shalt  }
0x6e: {  	_ =	shalt  }
0x6f: {  	_ =	shalt  }
0x70: {  	_ =	shalt  }
0x71: {  	_ =	shalt  }
0x72: {  	_ =	shalt  }
0x73: {  	_ =	shalt  }
0x74: {  	_ =	shalt  }
0x75: {  	_ =	shalt  }
0x76: {  	_ =	shalt  }
0x77: {  	_ =	shalt  }
0x78: {  	_ =	shalt  }
0x79: {  	_ =	shalt  }
0x7a: {  	_ =	shalt  }
0x7b: {  	_ =	shalt  }
0x7c: {  	_ =	shalt  }
0x7d: {  	_ =	shalt  }
0x7e: {  	_ =	shalt  }
0x7f: {  	_ =	shalt  }
0x80: {  	_ =	shalt  }
0x81: {  	_ =	shalt  }
0x82: {  	_ =	shalt  }
0x83: {  	_ =	shalt  }
0x84: {  	_ =	shalt  }
0x85: {  	_ =	shalt  }
0x86: {  	_ =	shalt  }
0x87: {  	_ =	shalt  }
.Lfunc_end0:
.L_simem_size_0:
called_computation_lowered:
.L_overlay_start_0:
0x88: {  	s2 =	sld [smem:$0x3FD9]  }
0x89: {  	s3 =	sld [smem:$0x3FFE];
	_ =	sdelay $0x1  }
0x8a: {  	s1 =	srdreg.scid  }
0x8b: {  	s0 =	sand.u32 $0x1, s1  }
0x8c: {  	s14 =	sshll.u32 s0, $0xA;
	s2 =	sadd.s32 s3, s2  }
0x8d: {  	s2 =	sadd.s32 s2, s14  }
0x8e: {  	[smem:$0x3FB2] =	sst s2  }
0x8f: {  	_ = 	snop  }
0x90: {  	s2 =	sld [smem:$0x3FD0];
	_ =	sdelay $0x2  }
0x91: {  	s15 =	simm.s32 $0xA;
	s4 =	simm.s32 $0x10  }
0x92: {  	[smem:s4], [sflag:s15] =	dma.local [hbm:s2], $0x1  }
0x93: {  	_ =	swait.eq [sflag:s15], $0x1  }
0x94: {  	[sflag:s15] =	ssyncset.done $0x0  }
0x95: {  	s16 =	sld [smem:$0x10];
	[sflag:s15] =	ssyncadd.s32 $0xFFFFFFFF  }
0x96: {  	s17 =	sld [smem:$0x12];
	(tm) =	ssettm $0x1  }
0x97: {  	s18 =	sld [smem:$0x3FFB];
	_ =	sdelay $0x3  }
0x98: {  	_ =	strace s18  }
0x99: {  	s4 =	sld [smem:$0x3FFC];
	_ =	sdelay $0x3  }
0x9a: {  	_ =	strace s4  }
0x9b: {  	s4 =	sld [smem:$0x3FFD];
	_ =	sdelay $0x3  }
0x9c: {  	_ =	strace s4  }
0x9d: {  	_ =	strace $0x8FFFFFFF  }
0x9e: {  	s19 =	sld [smem:$0x3FDB];
	_ =	sdelay $0x1  }
0x9f: {  	s5 =	simm.s32 $_scs_section_size  }
0xa0: {  	s6 =	simm.s32 $_size__tile_overlayer_lowered;
	s7 =	simm.s32 $_tile_overlayer_lowered  }
0xa1: {  	s22 =	simm.s32 $0x1BFF;
	s21 =	sshll.u32 s7, $0x1;
	s4 =	sadd.s32 s5, s19  }
0xa2: {  	s8 =	simm.s32 $0x0;
	s20 =	sshll.u32 s6, $0x1;
	s6 =	sadd.s32 s21, s4  }
0xa3: {  	[timem:s8], [sflag:s22] =	dma.local [hbm:s6], s20  }
0xa4: {  	_ =	swait.ge [sflag:s22], s20  }
0xa5: {  	s5 =	ssub.s32 $0x0, s20;
	[sflag:s22] =	ssyncset.done $0x0  }
0xa6: {  	[sflag:s22] =	ssyncadd.s32 s5;
	_ =	sdelay $0x1  }
0xa7: {  	s23 =	simm.s32 $0x1B8B  }
0xa8: {  	_ =	swait.ge [sflag:s23], $0x1  }
0xa9: {  	[sflag:s23] =	ssyncset.done $0x0  }
0xaa: {  	s25 =	simm.s32 $0x1B8E;
	s24 =	sld [smem:$0x3FFE];
	[sflag:s23] =	ssyncadd.s32 $0xFFFFFFFF  }
0xab: {  	s26 =	simm.s32 $execute0_lowered;
	[smem:$0x3FD2] =	sst s25  }
0xac: {  	s6 =	sshll.u32 s26, $0x1;
	_ =	strace $0x80000046;
	[dreg:$0x1] =	wrdreg $0xFFFFFFFF  }
0xad: {  	s28 =	simm.s32 $_size_execute0_lowered;
	s4 =	sadd.s32 s4, s6;
	[dreg:$0x0] =	wrdreg $0x0  }
0xae: {  	s6 =	sshll.u32 s28, $0x1;
	[dreg:$0x2] =	wrdreg s4  }
0xaf: {  	[dreg:$0x3] =	wrdreg s6  }
0xb0: {  	[dreg:$0x4] =	wrdreg $0xC0  }
0xb1: {  	_ =	task [dreg:s8], $0x5FFFF  }
0xb2: {  	[dreg:$0x1] =	wrdreg $0xFFFFFFFF  }
0xb3: {  	[dreg:$0x0] =	wrdreg $0x60  }
0xb4: {  	[dreg:$0x2] =	wrdreg s16  }
0xb5: {  	[dreg:$0x3] =	wrdreg s24  }
0xb6: {  	[dreg:$0x4] =	wrdreg s17  }
0xb7: {  	[dreg:$0x5] =	wrdreg $0x9  }
0xb8: {  	_ =	task.clear_ibuf [dreg:s8], $0x6FFFF;
	_ =	strace $0x90000046  }
0xb9: {  	s29 =	simm.s32 $0x9;
	_ =	strace $0x80000048  }
0xba: {  	_ =	swait.ge [sflag:s29], $0x1  }
0xbb: {  	[sflag:s29] =	ssyncadd.s32 $0xFFFFFFFF  }
0xbc: {  	_ =	strace $0x90000048  }
0xbd: {  	_ =	sfence  }
0xbe: {  	s30 =	sld [smem:$0x0];
	_ =	sdelay $0x2  }
0xbf: {  	s31 =	sshll.u32 s1, $0xD;
	s1 =	sshrl.u32 s1, $0x2  }
0xc0: {  	s3 =	sand.u32 $0x4000, s31;
	s1 =	sadd.s32 s1, s30  }
0xc1: {  	s0 =	sor.u32 s3, s0;
	s1 =	sshll.u32 s1, $0x11  }
0xc2: {  	s0 =	sor.u32 s1, s0  }
0xc3: {  	s0 =	sadd.s32 $0x8F2B, s0  }
0xc4: {  	[sflag:s0] =	ssyncadd.remote.s32 $0x1  }
0xc5: {  	_ =	sfence.sel $0xFFFF  }
0xc6: {  	[dreg:$0x0] =	wrdreg $0xFFFFFFFF;
	(pc) =	sbr.abs _section_cstart, $3  }
0xc7: {  	[dreg:$0x1] =	wrdreg $0xFFFFFFFF  }
0xc8: {  	_ =	task.clear_ibuf [dreg:s8], $0x2FFFF;
	_ =	strace $0x9FFFFFFF  }
0xc9: {  	(tm) =	ssettm $0x7FFFFFFF  }
tec
execute0_lowered:
.L_overlay_start_1:
0x0: {  	(tag) =	ssettag $0x1  }
0x1: {  	s1 =	rddreg [dreg:$0x0]  }
0x2: {  	s0 =	rddreg [dreg:$0x1];
	s2 =	srdreg.scid  }
0x3: {  	s3 =	stileid.u32;
	s4 =	rddreg [dreg:$0x2]  }
0x4: {  	s30 =	simm.s32 $0x1;
	s9 =	simm.s32 $0x2A00;
	s10 =	simm.s32 $0x3200  }
0x5: {  	s11 =	simm.s32 $0x3A00;
	s12 =	simm.s32 $0x4200;
	s13 =	simm.s32 $0x4A00  }
0x6: {  	s14 =	simm.s32 $0x5200;
	s15 =	simm.s32 $0x5A00;
	s16 =	simm.s32 $0x6200  }
0x7: {  	s17 =	simm.s32 $0x6A00;
	s18 =	simm.s32 $0x7200;
	s19 =	simm.s32 $0x7A00  }
0x8: {  	s20 =	simm.s32 $0x8200;
	s21 =	simm.s32 $0x8A00;
	s22 =	simm.s32 $0x9200  }
0x9: {  	s23 =	simm.s32 $0x9A00;
	s24 =	simm.s32 $0xA200;
	s28 =	simm.s32 $0xBA00  }
0xa: {  	s29 =	simm.s32 $0xC200;
	s2 =	sand.u32 $0x1, s2;
	s5 =	sshll.u32 s3, $0x1  }
0xb: {  	s3 =	simm.s32 $0x0;
	s0 =	sadd.s32 $0xB200, s0;
	s5 =	sor.u32 s2, s5  }
0xc: {  	[smem:$0x7FF] =	sst s3;
	s2 =	ssub.s32 $0x2, s2;
	s6 =	smul.u32 $0x310, s5  }
0xd: {  	_ =	strace $0x80000047;
	s5 =	smul.u32 $0x6200, s5;
	s8 =	sshrl.u32 s2, $0x1  }
0xe: {  	s2 =	ssub.s32 s2, s8;
	s8 =	simm.s32 $0x2200;
	s7 =	sshrl.u32 s6, $0x3  }
0xf: {  	s6 =	sadd.s32 $0x188, s6;
	s5 =	sadd.s32 s4, s5;
	s7 =	sadd.s32 s0, s7  }
0x10: {  	s25 =	sshrl.u32 s6, $0x3;
	[dreg:$0x5] =	wrdreg s5;
	s26 =	sshll.u32 s6, $0x5  }
0x11: {  	s5 =	simm.s32 $0x2;
	s6 =	simm.s32 $0xCA00;
	[dreg:$0x4] =	wrdreg s7  }
0x12: {  	v2 =	vlaneseq.u32;
	s0 =	sadd.s32 s0, s25;
	s31 =	sadd.s32 s4, s26;
	s4 =	smax.u32 s2, $0x1  }
0x13: {  	vm0 =	vmmov $0xffff;
	v1 =	vshrl.u32 v2, $0x3;
	s2 =	simm.s32 $0xA00;
	s7 =	simm.s32 $0x1A00;
	[dreg:$0x6] =	wrdreg s0  }
0x14: {  	v0 =	vand.u32 $0x7, v2;
	v2 =	vor.u32 $0x8, v2;
	v1 =	vmul.u32 $0x8, v1;
	s25 =	simm.s32 $0xAA00;
	s26 =	simm.s32 $0xB200;
	[dreg:$0x7] =	wrdreg s31  }
.LBB2_1:
0x15: {  	s31 =	rddreg [dreg:$0x4]  }
0x16: {  	[tilespmem:s3], [sflag:$0x2] =	stream.linear.gather [hbm4b:s31+s3], $0x188, $0x38;
	[tilespmem:$0x18A00] =	vst v63  }
0x17: {  	_ =	swait.ge [sflag:s5], $0x188  }
0x18: {  	[sflag:s5] =	ssyncset.done $0x0  }
0x19: {  	[sflag:s5] =	ssyncadd.s32 $0xFFFFFE78  }
0x1a: {  	v3 =	vld [tilespmem:$0x0];
	_ =	sdelay $0x4  }
0x1b: {  	v4 =	vshll.u32 v3, $0x1  }
0x1c: {  	v3 =	vand.u32 $0x7, v3;
	v4 =	vand.u32 $0xFFFFFFF0, v4  }
0x1d: {  	v3 =	vor.u32 v3, v4  }
0x1e: {  	v4 =	vperm.xlane v3, v0;
	_ =	sdelay $0x1  }
0x1f: {  	v3 =	vperm.xlane v3, v2;
	v4 =	vadd.s32 v1, v4;
	_ =	sdelay $0x1  }
0x20: {  	v3 =	vadd.s32 v1, v3;
	_ =	sdelay $0x1  }
0x21: {  	s0 =	simm.s32 $0x200  }
0x22: {  	[tilespmem:s0], [sflag:$0x1] =	stream.indirect_vreg.gather [hbm4b:s1+s3], $0x80, v4, vm0, $0xb8;
	[tilespmem:$0x18A00] =	vst v63  }
0x23: {  	_ = 	snop  }
0x24: {  	[tilespmem:s2], [sflag:$0x1] =	stream.indirect_vreg.gather [hbm4b:s1+s3], $0x80, v3, vm0, $0xb8;
	[tilespmem:$0x18A00] =	vst v63  }
0x25: {  	v3 =	vld [tilespmem:$0x10];
	_ =	sdelay $0x4  }
0x26: {  	v15 =	vshll.u32 v3, $0x1  }
0x27: {  	v3 =	vand.u32 $0x7, v3;
	v4 =	vand.u32 $0xFFFFFFF0, v15  }
0x28: {  	v3 =	vor.u32 v3, v4  }
0x29: {  	v4 =	vperm.xlane v3, v0;
	_ =	sdelay $0x1  }
0x2a: {  	v3 =	vperm.xlane v3, v2;
	v4 =	vadd.s32 v1, v4;
	_ =	sdelay $0x1  }
0x2b: {  	v3 =	vadd.s32 v1, v3;
	_ =	sdelay $0x1  }
0x2c: {  	s31 =	simm.s32 $0x1200  }
0x2d: {  	[tilespmem:s31], [sflag:$0x1] =	stream.indirect_vreg.gather [hbm4b:s1+s3], $0x80, v4, vm0, $0xb8;
	[tilespmem:$0x18A00] =	vst v63  }
0x2e: {  	_ = 	snop  }
0x2f: {  	[tilespmem:s7], [sflag:$0x1] =	stream.indirect_vreg.gather [hbm4b:s1+s3], $0x80, v3, vm0, $0xb8;
	[tilespmem:$0x18A00] =	vst v63  }
0x30: {  	v3 =	vld [tilespmem:$0x20];
	_ =	sdelay $0x4  }
0x31: {  	v16 =	vshll.u32 v3, $0x1  }
0x32: {  	v3 =	vand.u32 $0x7, v3;
	v4 =	vand.u32 $0xFFFFFFF0, v16  }
0x33: {  	v3 =	vor.u32 v3, v4  }
0x34: {  	v4 =	vperm.xlane v3, v0;
	_ =	sdelay $0x1  }
0x35: {  	v3 =	vperm.xlane v3, v2;
	v4 =	vadd.s32 v1, v4;
	_ =	sdelay $0x1  }
0x36: {  	v3 =	vadd.s32 v1, v3;
	_ =	sdelay $0x2  }
0x37: {  	[tilespmem:s8], [sflag:$0x1] =	stream.indirect_vreg.gather [hbm4b:s1+s3], $0x80, v4, vm0, $0xb8;
	[tilespmem:$0x18A00] =	vst v63  }
0x38: {  	_ = 	snop  }
0x39: {  	[tilespmem:s9], [sflag:$0x1] =	stream.indirect_vreg.gather [hbm4b:s1+s3], $0x80, v3, vm0, $0xb8;
	[tilespmem:$0x18A00] =	vst v63  }
0x3a: {  	v3 =	vld [tilespmem:$0x30];
	_ =	sdelay $0x4  }
0x3b: {  	v17 =	vshll.u32 v3, $0x1  }
0x3c: {  	v3 =	vand.u32 $0x7, v3;
	v4 =	vand.u32 $0xFFFFFFF0, v17  }
0x3d: {  	v3 =	vor.u32 v3, v4  }
0x3e: {  	v4 =	vperm.xlane v3, v0;
	_ =	sdelay $0x1  }
0x3f: {  	v3 =	vperm.xlane v3, v2;
	v4 =	vadd.s32 v1, v4;
	_ =	sdelay $0x1  }
0x40: {  	v3 =	vadd.s32 v1, v3;
	_ =	sdelay $0x2  }
0x41: {  	[tilespmem:s10], [sflag:$0x1] =	stream.indirect_vreg.gather [hbm4b:s1+s3], $0x80, v4, vm0, $0xb8;
	[tilespmem:$0x18A00] =	vst v63  }
0x42: {  	_ = 	snop  }
0x43: {  	[tilespmem:s11], [sflag:$0x1] =	stream.indirect_vreg.gather [hbm4b:s1+s3], $0x80, v3, vm0, $0xb8;
	[tilespmem:$0x18A00] =	vst v63  }
0x44: {  	v3 =	vld [tilespmem:$0x40];
	_ =	sdelay $0x4  }
0x45: {  	v18 =	vshll.u32 v3, $0x1  }
0x46: {  	v3 =	vand.u32 $0x7, v3;
	v4 =	vand.u32 $0xFFFFFFF0, v18  }
0x47: {  	v3 =	vor.u32 v3, v4  }
0x48: {  	v4 =	vperm.xlane v3, v0;
	_ =	sdelay $0x1  }
0x49: {  	v3 =	vperm.xlane v3, v2;
	v4 =	vadd.s32 v1, v4;
	_ =	sdelay $0x1  }
0x4a: {  	v3 =	vadd.s32 v1, v3;
	_ =	sdelay $0x2  }
0x4b: {  	[tilespmem:s12], [sflag:$0x1] =	stream.indirect_vreg.gather [hbm4b:s1+s3], $0x80, v4, vm0, $0xb8;
	[tilespmem:$0x18A00] =	vst v63  }
0x4c: {  	_ = 	snop  }
0x4d: {  	[tilespmem:s13], [sflag:$0x1] =	stream.indirect_vreg.gather [hbm4b:s1+s3], $0x80, v3, vm0, $0xb8;
	[tilespmem:$0x18A00] =	vst v63  }
0x4e: {  	v3 =	vld [tilespmem:$0x50];
	_ =	sdelay $0x4  }
0x4f: {  	v19 =	vshll.u32 v3, $0x1  }
0x50: {  	v3 =	vand.u32 $0x7, v3;
	v4 =	vand.u32 $0xFFFFFFF0, v19  }
0x51: {  	v3 =	vor.u32 v3, v4  }
0x52: {  	v4 =	vperm.xlane v3, v0;
	_ =	sdelay $0x1  }
0x53: {  	v3 =	vperm.xlane v3, v2;
	v4 =	vadd.s32 v1, v4;
	_ =	sdelay $0x1  }
0x54: {  	v3 =	vadd.s32 v1, v3;
	_ =	sdelay $0x2  }
0x55: {  	[tilespmem:s14], [sflag:$0x1] =	stream.indirect_vreg.gather [hbm4b:s1+s3], $0x80, v4, vm0, $0xb8;
	[tilespmem:$0x18A00] =	vst v63  }
0x56: {  	_ = 	snop  }
0x57: {  	[tilespmem:s15], [sflag:$0x1] =	stream.indirect_vreg.gather [hbm4b:s1+s3], $0x80, v3, vm0, $0xb8;
	[tilespmem:$0x18A00] =	vst v63  }
0x58: {  	v3 =	vld [tilespmem:$0x60];
	_ =	sdelay $0x4  }
0x59: {  	v20 =	vshll.u32 v3, $0x1  }
0x5a: {  	v3 =	vand.u32 $0x7, v3;
	v4 =	vand.u32 $0xFFFFFFF0, v20  }
0x5b: {  	v3 =	vor.u32 v3, v4  }
0x5c: {  	v4 =	vperm.xlane v3, v0;
	_ =	sdelay $0x1  }
0x5d: {  	v3 =	vperm.xlane v3, v2;
	v4 =	vadd.s32 v1, v4;
	_ =	sdelay $0x1  }
0x5e: {  	v3 =	vadd.s32 v1, v3;
	_ =	sdelay $0x2  }
0x5f: {  	[tilespmem:s16], [sflag:$0x1] =	stream.indirect_vreg.gather [hbm4b:s1+s3], $0x80, v4, vm0, $0xb8;
	[tilespmem:$0x18A00] =	vst v63  }
0x60: {  	_ = 	snop  }
0x61: {  	[tilespmem:s17], [sflag:$0x1] =	stream.indirect_vreg.gather [hbm4b:s1+s3], $0x80, v3, vm0, $0xb8;
	[tilespmem:$0x18A00] =	vst v63  }
0x62: {  	v3 =	vld [tilespmem:$0x70];
	_ =	sdelay $0x4  }
0x63: {  	v21 =	vshll.u32 v3, $0x1  }
0x64: {  	v3 =	vand.u32 $0x7, v3;
	v4 =	vand.u32 $0xFFFFFFF0, v21  }
0x65: {  	v3 =	vor.u32 v3, v4  }
0x66: {  	v4 =	vperm.xlane v3, v0;
	_ =	sdelay $0x1  }
0x67: {  	v3 =	vperm.xlane v3, v2;
	v4 =	vadd.s32 v1, v4;
	_ =	sdelay $0x1  }
0x68: {  	v3 =	vadd.s32 v1, v3;
	_ =	sdelay $0x2  }
0x69: {  	[tilespmem:s18], [sflag:$0x1] =	stream.indirect_vreg.gather [hbm4b:s1+s3], $0x80, v4, vm0, $0xb8;
	[tilespmem:$0x18A00] =	vst v63  }
0x6a: {  	_ = 	snop  }
0x6b: {  	[tilespmem:s19], [sflag:$0x1] =	stream.indirect_vreg.gather [hbm4b:s1+s3], $0x80, v3, vm0, $0xb8;
	[tilespmem:$0x18A00] =	vst v63  }
0x6c: {  	v3 =	vld [tilespmem:$0x80];
	_ =	sdelay $0x4  }
0x6d: {  	v22 =	vshll.u32 v3, $0x1  }
0x6e: {  	v3 =	vand.u32 $0x7, v3;
	v4 =	vand.u32 $0xFFFFFFF0, v22  }
0x6f: {  	v3 =	vor.u32 v3, v4  }
0x70: {  	v4 =	vperm.xlane v3, v0;
	_ =	sdelay $0x1  }
0x71: {  	v3 =	vperm.xlane v3, v2;
	v4 =	vadd.s32 v1, v4;
	_ =	sdelay $0x1  }
0x72: {  	v3 =	vadd.s32 v1, v3;
	_ =	sdelay $0x2  }
0x73: {  	[tilespmem:s20], [sflag:$0x1] =	stream.indirect_vreg.gather [hbm4b:s1+s3], $0x80, v4, vm0, $0xb8;
	[tilespmem:$0x18A00] =	vst v63  }
0x74: {  	_ = 	snop  }
0x75: {  	[tilespmem:s21], [sflag:$0x1] =	stream.indirect_vreg.gather [hbm4b:s1+s3], $0x80, v3, vm0, $0xb8;
	[tilespmem:$0x18A00] =	vst v63  }
0x76: {  	v3 =	vld [tilespmem:$0x90];
	_ =	sdelay $0x4  }
0x77: {  	v23 =	vshll.u32 v3, $0x1  }
0x78: {  	v3 =	vand.u32 $0x7, v3;
	v4 =	vand.u32 $0xFFFFFFF0, v23  }
0x79: {  	v3 =	vor.u32 v3, v4  }
0x7a: {  	v4 =	vperm.xlane v3, v0;
	_ =	sdelay $0x1  }
0x7b: {  	v3 =	vperm.xlane v3, v2;
	v4 =	vadd.s32 v1, v4;
	_ =	sdelay $0x1  }
0x7c: {  	v3 =	vadd.s32 v1, v3;
	_ =	sdelay $0x2  }
0x7d: {  	[tilespmem:s22], [sflag:$0x1] =	stream.indirect_vreg.gather [hbm4b:s1+s3], $0x80, v4, vm0, $0xb8;
	[tilespmem:$0x18A00] =	vst v63  }
0x7e: {  	_ = 	snop  }
0x7f: {  	[tilespmem:s23], [sflag:$0x1] =	stream.indirect_vreg.gather [hbm4b:s1+s3], $0x80, v3, vm0, $0xb8;
	[tilespmem:$0x18A00] =	vst v63  }
0x80: {  	v3 =	vld [tilespmem:$0xA0];
	_ =	sdelay $0x4  }
0x81: {  	v24 =	vshll.u32 v3, $0x1  }
0x82: {  	v3 =	vand.u32 $0x7, v3;
	v4 =	vand.u32 $0xFFFFFFF0, v24  }
0x83: {  	v3 =	vor.u32 v3, v4  }
0x84: {  	v4 =	vperm.xlane v3, v0;
	_ =	sdelay $0x1  }
0x85: {  	v3 =	vperm.xlane v3, v2;
	v4 =	vadd.s32 v1, v4;
	_ =	sdelay $0x1  }
0x86: {  	v3 =	vadd.s32 v1, v3;
	_ =	sdelay $0x2  }
0x87: {  	[tilespmem:s24], [sflag:$0x1] =	stream.indirect_vreg.gather [hbm4b:s1+s3], $0x80, v4, vm0, $0xb8;
	[tilespmem:$0x18A00] =	vst v63  }
0x88: {  	_ = 	snop  }
0x89: {  	[tilespmem:s25], [sflag:$0x1] =	stream.indirect_vreg.gather [hbm4b:s1+s3], $0x80, v3, vm0, $0xb8;
	[tilespmem:$0x18A00] =	vst v63  }
0x8a: {  	v3 =	vld [tilespmem:$0xB0];
	_ =	sdelay $0x4  }
0x8b: {  	v25 =	vshll.u32 v3, $0x1  }
0x8c: {  	v3 =	vand.u32 $0x7, v3;
	v4 =	vand.u32 $0xFFFFFFF0, v25  }
0x8d: {  	v3 =	vor.u32 v3, v4  }
0x8e: {  	v4 =	vperm.xlane v3, v0;
	_ =	sdelay $0x1  }
0x8f: {  	v3 =	vperm.xlane v3, v2;
	v4 =	vadd.s32 v1, v4;
	_ =	sdelay $0x1  }
0x90: {  	v3 =	vadd.s32 v1, v3;
	_ =	sdelay $0x2  }
0x91: {  	[tilespmem:s26], [sflag:$0x1] =	stream.indirect_vreg.gather [hbm4b:s1+s3], $0x80, v4, vm0, $0xb8;
	[tilespmem:$0x18A00] =	vst v63  }
0x92: {  	_ = 	snop  }
0x93: {  	[tilespmem:s28], [sflag:$0x1] =	stream.indirect_vreg.gather [hbm4b:s1+s3], $0x80, v3, vm0, $0xb8;
	[tilespmem:$0x18A00] =	vst v63  }
0x94: {  	v3 =	vld [tilespmem:$0xC0];
	_ =	sdelay $0x4  }
0x95: {  	v26 =	vshll.u32 v3, $0x1  }
0x96: {  	v3 =	vand.u32 $0x7, v3;
	v4 =	vand.u32 $0xFFFFFFF0, v26  }
0x97: {  	v3 =	vor.u32 v3, v4  }
0x98: {  	v4 =	vperm.xlane v3, v0;
	_ =	sdelay $0x1  }
0x99: {  	v3 =	vperm.xlane v3, v2;
	v4 =	vadd.s32 v1, v4;
	_ =	sdelay $0x1  }
0x9a: {  	v3 =	vadd.s32 v1, v3;
	_ =	sdelay $0x2  }
0x9b: {  	[tilespmem:s29], [sflag:$0x1] =	stream.indirect_vreg.gather [hbm4b:s1+s3], $0x80, v4, vm0, $0xb8;
	[tilespmem:$0x18A00] =	vst v63  }
0x9c: {  	_ = 	snop  }
0x9d: {  	[tilespmem:s6], [sflag:$0x1] =	stream.indirect_vreg.gather [hbm4b:s1+s3], $0x80, v3, vm0, $0xb8;
	[tilespmem:$0x18A00] =	vst v63  }
0x9e: {  	v3 =	vld [tilespmem:$0xD0];
	_ =	sdelay $0x4  }
0x9f: {  	v27 =	vshll.u32 v3, $0x1  }
0xa0: {  	v3 =	vand.u32 $0x7, v3;
	v4 =	vand.u32 $0xFFFFFFF0, v27  }
0xa1: {  	v3 =	vor.u32 v3, v4  }
0xa2: {  	v4 =	vperm.xlane v3, v0;
	_ =	sdelay $0x1  }
0xa3: {  	v3 =	vperm.xlane v3, v2;
	v4 =	vadd.s32 v1, v4;
	_ =	sdelay $0x1  }
0xa4: {  	v3 =	vadd.s32 v1, v3;
	_ =	sdelay $0x1  }
0xa5: {  	s31 =	simm.s32 $0xD200  }
0xa6: {  	[tilespmem:s31], [sflag:$0x1] =	stream.indirect_vreg.gather [hbm4b:s1+s3], $0x80, v4, vm0, $0xb8;
	[tilespmem:$0x18A00] =	vst v63  }
0xa7: {  	s31 =	simm.s32 $0xDA00  }
0xa8: {  	[tilespmem:s31], [sflag:$0x1] =	stream.indirect_vreg.gather [hbm4b:s1+s3], $0x80, v3, vm0, $0xb8;
	[tilespmem:$0x18A00] =	vst v63  }
0xa9: {  	v3 =	vld [tilespmem:$0xE0];
	_ =	sdelay $0x4  }
0xaa: {  	v28 =	vshll.u32 v3, $0x1  }
0xab: {  	v3 =	vand.u32 $0x7, v3;
	v4 =	vand.u32 $0xFFFFFFF0, v28  }
0xac: {  	v3 =	vor.u32 v3, v4  }
0xad: {  	v4 =	vperm.xlane v3, v0;
	_ =	sdelay $0x1  }
0xae: {  	v3 =	vperm.xlane v3, v2;
	v4 =	vadd.s32 v1, v4;
	_ =	sdelay $0x1  }
0xaf: {  	v3 =	vadd.s32 v1, v3;
	_ =	sdelay $0x1  }
0xb0: {  	s31 =	simm.s32 $0xE200  }
0xb1: {  	[tilespmem:s31], [sflag:$0x1] =	stream.indirect_vreg.gather [hbm4b:s1+s3], $0x80, v4, vm0, $0xb8;
	[tilespmem:$0x18A00] =	vst v63  }
0xb2: {  	s31 =	simm.s32 $0xEA00  }
0xb3: {  	[tilespmem:s31], [sflag:$0x1] =	stream.indirect_vreg.gather [hbm4b:s1+s3], $0x80, v3, vm0, $0xb8;
	[tilespmem:$0x18A00] =	vst v63  }
0xb4: {  	v3 =	vld [tilespmem:$0xF0];
	_ =	sdelay $0x4  }
0xb5: {  	v29 =	vshll.u32 v3, $0x1  }
0xb6: {  	v3 =	vand.u32 $0x7, v3;
	v4 =	vand.u32 $0xFFFFFFF0, v29  }
0xb7: {  	v3 =	vor.u32 v3, v4  }
0xb8: {  	v4 =	vperm.xlane v3, v0;
	_ =	sdelay $0x1  }
0xb9: {  	v3 =	vperm.xlane v3, v2;
	v4 =	vadd.s32 v1, v4;
	_ =	sdelay $0x1  }
0xba: {  	v3 =	vadd.s32 v1, v3;
	_ =	sdelay $0x1  }
0xbb: {  	s31 =	simm.s32 $0xF200  }
0xbc: {  	[tilespmem:s31], [sflag:$0x1] =	stream.indirect_vreg.gather [hbm4b:s1+s3], $0x80, v4, vm0, $0xb8;
	[tilespmem:$0x18A00] =	vst v63  }
0xbd: {  	s31 =	simm.s32 $0xFA00  }
0xbe: {  	[tilespmem:s31], [sflag:$0x1] =	stream.indirect_vreg.gather [hbm4b:s1+s3], $0x80, v3, vm0, $0xb8;
	[tilespmem:$0x18A00] =	vst v63  }
0xbf: {  	v3 =	vld [tilespmem:$0x100];
	_ =	sdelay $0x4  }
0xc0: {  	v30 =	vshll.u32 v3, $0x1  }
0xc1: {  	v3 =	vand.u32 $0x7, v3;
	v4 =	vand.u32 $0xFFFFFFF0, v30  }
0xc2: {  	v3 =	vor.u32 v3, v4  }
0xc3: {  	v4 =	vperm.xlane v3, v0;
	_ =	sdelay $0x1  }
0xc4: {  	v3 =	vperm.xlane v3, v2;
	v4 =	vadd.s32 v1, v4;
	_ =	sdelay $0x1  }
0xc5: {  	v3 =	vadd.s32 v1, v3;
	_ =	sdelay $0x1  }
0xc6: {  	s31 =	simm.s32 $0x10200  }
0xc7: {  	[tilespmem:s31], [sflag:$0x1] =	stream.indirect_vreg.gather [hbm4b:s1+s3], $0x80, v4, vm0, $0xb8;
	[tilespmem:$0x18A00] =	vst v63  }
0xc8: {  	s31 =	simm.s32 $0x10A00  }
0xc9: {  	[tilespmem:s31], [sflag:$0x1] =	stream.indirect_vreg.gather [hbm4b:s1+s3], $0x80, v3, vm0, $0xb8;
	[tilespmem:$0x18A00] =	vst v63  }
0xca: {  	v3 =	vld [tilespmem:$0x110];
	_ =	sdelay $0x4  }
0xcb: {  	v31 =	vshll.u32 v3, $0x1  }
0xcc: {  	v3 =	vand.u32 $0x7, v3;
	v4 =	vand.u32 $0xFFFFFFF0, v31  }
0xcd: {  	v3 =	vor.u32 v3, v4  }
0xce: {  	v4 =	vperm.xlane v3, v0;
	_ =	sdelay $0x1  }
0xcf: {  	v3 =	vperm.xlane v3, v2;
	v4 =	vadd.s32 v1, v4;
	_ =	sdelay $0x1  }
0xd0: {  	v3 =	vadd.s32 v1, v3;
	_ =	sdelay $0x1  }
0xd1: {  	s31 =	simm.s32 $0x11200  }
0xd2: {  	[tilespmem:s31], [sflag:$0x1] =	stream.indirect_vreg.gather [hbm4b:s1+s3], $0x80, v4, vm0, $0xb8;
	[tilespmem:$0x18A00] =	vst v63  }
0xd3: {  	s31 =	simm.s32 $0x11A00  }
0xd4: {  	[tilespmem:s31], [sflag:$0x1] =	stream.indirect_vreg.gather [hbm4b:s1+s3], $0x80, v3, vm0, $0xb8;
	[tilespmem:$0x18A00] =	vst v63  }
0xd5: {  	v3 =	vld [tilespmem:$0x120];
	_ =	sdelay $0x4  }
0xd6: {  	v32 =	vshll.u32 v3, $0x1  }
0xd7: {  	v3 =	vand.u32 $0x7, v3;
	v4 =	vand.u32 $0xFFFFFFF0, v32  }
0xd8: {  	v3 =	vor.u32 v3, v4  }
0xd9: {  	v4 =	vperm.xlane v3, v0;
	_ =	sdelay $0x1  }
0xda: {  	v3 =	vperm.xlane v3, v2;
	v4 =	vadd.s32 v1, v4;
	_ =	sdelay $0x1  }
0xdb: {  	v3 =	vadd.s32 v1, v3;
	_ =	sdelay $0x1  }
0xdc: {  	s31 =	simm.s32 $0x12200  }
0xdd: {  	[tilespmem:s31], [sflag:$0x1] =	stream.indirect_vreg.gather [hbm4b:s1+s3], $0x80, v4, vm0, $0xb8;
	[tilespmem:$0x18A00] =	vst v63  }
0xde: {  	s31 =	simm.s32 $0x12A00  }
0xdf: {  	[tilespmem:s31], [sflag:$0x1] =	stream.indirect_vreg.gather [hbm4b:s1+s3], $0x80, v3, vm0, $0xb8;
	[tilespmem:$0x18A00] =	vst v63  }
0xe0: {  	v3 =	vld [tilespmem:$0x130];
	_ =	sdelay $0x4  }
0xe1: {  	v33 =	vshll.u32 v3, $0x1  }
0xe2: {  	v3 =	vand.u32 $0x7, v3;
	v4 =	vand.u32 $0xFFFFFFF0, v33  }
0xe3: {  	v3 =	vor.u32 v3, v4  }
0xe4: {  	v4 =	vperm.xlane v3, v0;
	_ =	sdelay $0x1  }
0xe5: {  	v3 =	vperm.xlane v3, v2;
	v4 =	vadd.s32 v1, v4;
	_ =	sdelay $0x1  }
0xe6: {  	v3 =	vadd.s32 v1, v3;
	_ =	sdelay $0x1  }
0xe7: {  	s31 =	simm.s32 $0x13200  }
0xe8: {  	[tilespmem:s31], [sflag:$0x1] =	stream.indirect_vreg.gather [hbm4b:s1+s3], $0x80, v4, vm0, $0xb8;
	[tilespmem:$0x18A00] =	vst v63  }
0xe9: {  	s31 =	simm.s32 $0x13A00  }
0xea: {  	[tilespmem:s31], [sflag:$0x1] =	stream.indirect_vreg.gather [hbm4b:s1+s3], $0x80, v3, vm0, $0xb8;
	[tilespmem:$0x18A00] =	vst v63  }
0xeb: {  	v3 =	vld [tilespmem:$0x140];
	_ =	sdelay $0x4  }
0xec: {  	v34 =	vshll.u32 v3, $0x1  }
0xed: {  	v3 =	vand.u32 $0x7, v3;
	v4 =	vand.u32 $0xFFFFFFF0, v34  }
0xee: {  	v3 =	vor.u32 v3, v4  }
0xef: {  	v4 =	vperm.xlane v3, v0;
	_ =	sdelay $0x1  }
0xf0: {  	v3 =	vperm.xlane v3, v2;
	v4 =	vadd.s32 v1, v4;
	_ =	sdelay $0x1  }
0xf1: {  	v3 =	vadd.s32 v1, v3;
	_ =	sdelay $0x1  }
0xf2: {  	s31 =	simm.s32 $0x14200  }
0xf3: {  	[tilespmem:s31], [sflag:$0x1] =	stream.indirect_vreg.gather [hbm4b:s1+s3], $0x80, v4, vm0, $0xb8;
	[tilespmem:$0x18A00] =	vst v63  }
0xf4: {  	s31 =	simm.s32 $0x14A00  }
0xf5: {  	[tilespmem:s31], [sflag:$0x1] =	stream.indirect_vreg.gather [hbm4b:s1+s3], $0x80, v3, vm0, $0xb8;
	[tilespmem:$0x18A00] =	vst v63  }
0xf6: {  	v3 =	vld [tilespmem:$0x150];
	_ =	sdelay $0x4  }
0xf7: {  	v35 =	vshll.u32 v3, $0x1  }
0xf8: {  	v3 =	vand.u32 $0x7, v3;
	v4 =	vand.u32 $0xFFFFFFF0, v35  }
0xf9: {  	v3 =	vor.u32 v3, v4  }
0xfa: {  	v4 =	vperm.xlane v3, v0;
	_ =	sdelay $0x1  }
0xfb: {  	v3 =	vperm.xlane v3, v2;
	v4 =	vadd.s32 v1, v4;
	_ =	sdelay $0x1  }
0xfc: {  	v3 =	vadd.s32 v1, v3;
	_ =	sdelay $0x1  }
0xfd: {  	s31 =	simm.s32 $0x15200  }
0xfe: {  	[tilespmem:s31], [sflag:$0x1] =	stream.indirect_vreg.gather [hbm4b:s1+s3], $0x80, v4, vm0, $0xb8;
	[tilespmem:$0x18A00] =	vst v63  }
0xff: {  	s31 =	simm.s32 $0x15A00  }
0x100: {  	[tilespmem:s31], [sflag:$0x1] =	stream.indirect_vreg.gather [hbm4b:s1+s3], $0x80, v3, vm0, $0xb8;
	[tilespmem:$0x18A00] =	vst v63  }
0x101: {  	v3 =	vld [tilespmem:$0x160];
	_ =	sdelay $0x4  }
0x102: {  	v36 =	vshll.u32 v3, $0x1  }
0x103: {  	v3 =	vand.u32 $0x7, v3;
	v4 =	vand.u32 $0xFFFFFFF0, v36  }
0x104: {  	v3 =	vor.u32 v3, v4  }
0x105: {  	v4 =	vperm.xlane v3, v0;
	_ =	sdelay $0x1  }
0x106: {  	v3 =	vperm.xlane v3, v2;
	v4 =	vadd.s32 v1, v4;
	_ =	sdelay $0x1  }
0x107: {  	v3 =	vadd.s32 v1, v3;
	_ =	sdelay $0x1  }
0x108: {  	s31 =	simm.s32 $0x16200  }
0x109: {  	[tilespmem:s31], [sflag:$0x1] =	stream.indirect_vreg.gather [hbm4b:s1+s3], $0x80, v4, vm0, $0xb8;
	[tilespmem:$0x18A00] =	vst v63  }
0x10a: {  	s31 =	simm.s32 $0x16A00  }
0x10b: {  	[tilespmem:s31], [sflag:$0x1] =	stream.indirect_vreg.gather [hbm4b:s1+s3], $0x80, v3, vm0, $0xb8;
	[tilespmem:$0x18A00] =	vst v63  }
0x10c: {  	v3 =	vld [tilespmem:$0x170];
	_ =	sdelay $0x4  }
0x10d: {  	v37 =	vshll.u32 v3, $0x1  }
0x10e: {  	v3 =	vand.u32 $0x7, v3;
	v4 =	vand.u32 $0xFFFFFFF0, v37  }
0x10f: {  	v3 =	vor.u32 v3, v4  }
0x110: {  	v4 =	vperm.xlane v3, v0;
	_ =	sdelay $0x1  }
0x111: {  	v3 =	vperm.xlane v3, v2;
	v4 =	vadd.s32 v1, v4;
	_ =	sdelay $0x1  }
0x112: {  	v3 =	vadd.s32 v1, v3;
	_ =	sdelay $0x1  }
0x113: {  	s31 =	simm.s32 $0x17200  }
0x114: {  	[tilespmem:s31], [sflag:$0x1] =	stream.indirect_vreg.gather [hbm4b:s1+s3], $0x80, v4, vm0, $0xb8;
	[tilespmem:$0x18A00] =	vst v63  }
0x115: {  	s31 =	simm.s32 $0x17A00  }
0x116: {  	[tilespmem:s31], [sflag:$0x1] =	stream.indirect_vreg.gather [hbm4b:s1+s3], $0x80, v3, vm0, $0xb8;
	[tilespmem:$0x18A00] =	vst v63  }
0x117: {  	v3 =	vld.msk [tilespmem:$0x180], $0xff;
	_ =	sdelay $0x4  }
0x118: {  	v38 =	vshll.u32 v3, $0x1  }
0x119: {  	v3 =	vand.u32 $0x7, v3;
	v4 =	vand.u32 $0xFFFFFFF0, v38  }
0x11a: {  	v3 =	vor.u32 v3, v4  }
0x11b: {  	v3 =	vperm.xlane v3, v0;
	_ =	sdelay $0x1  }
0x11c: {  	v3 =	vadd.s32 v1, v3;
	_ =	sdelay $0x3  }
0x11d: {  	s31 =	simm.s32 $0x18200  }
0x11e: {  	[tilespmem:s31], [sflag:$0x1] =	stream.indirect_vreg.gather [hbm4b:s1+s3], $0x80, v3, vm0, $0xb8;
	[tilespmem:$0x18A00] =	vst v63  }
0x11f: {  	_ =	swait.ge [sflag:s30], $0x18800  }
0x120: {  	[sflag:s30] =	ssyncset.done $0x0  }
0x121: {  	s0 =	simm.s32 $0x200;
	s31 =	rddreg [dreg:$0x5];
	[sflag:s30] =	ssyncadd.s32 $0xFFFE7800  }
0x122: {  	[hbm4b:s31+s3] =	stream.linear.scatter [tilespmem:s0], [sflag:$0x2], $0x18800, $0x38;
	[tilespmem:$0x18A00] =	vst v63  }
0x123: {  	_ =	swait.ge [sflag:s5], $0x18800  }
0x124: {  	[sflag:s5] =	ssyncset.done $0x0  }
0x125: {  	s31 =	rddreg [dreg:$0x6];
	[sflag:s5] =	ssyncadd.s32 $0xFFFE7800  }
0x126: {  	[tilespmem:s3], [sflag:$0x2] =	stream.linear.gather [hbm4b:s31+s3], $0x188, $0x38;
	[tilespmem:$0x18A00] =	vst v63  }
0x127: {  	_ =	swait.ge [sflag:s5], $0x188  }
0x128: {  	[sflag:s5] =	ssyncset.done $0x0  }
0x129: {  	[sflag:s5] =	ssyncadd.s32 $0xFFFFFE78  }
0x12a: {  	v3 =	vld [tilespmem:$0x0];
	_ =	sdelay $0x4  }
0x12b: {  	v39 =	vshll.u32 v3, $0x1  }
0x12c: {  	v3 =	vand.u32 $0x7, v3;
	v4 =	vand.u32 $0xFFFFFFF0, v39  }
0x12d: {  	v3 =	vor.u32 v3, v4  }
0x12e: {  	v4 =	vperm.xlane v3, v0;
	_ =	sdelay $0x1  }
0x12f: {  	v3 =	vperm.xlane v3, v2;
	v4 =	vadd.s32 v1, v4;
	_ =	sdelay $0x1  }
0x130: {  	v3 =	vadd.s32 v1, v3;
	_ =	sdelay $0x2  }
0x131: {  	[tilespmem:s0], [sflag:$0x1] =	stream.indirect_vreg.gather [hbm4b:s1+s3], $0x80, v4, vm0, $0xb8;
	[tilespmem:$0x18A00] =	vst v63  }
0x132: {  	_ = 	snop  }
0x133: {  	[tilespmem:s2], [sflag:$0x1] =	stream.indirect_vreg.gather [hbm4b:s1+s3], $0x80, v3, vm0, $0xb8;
	[tilespmem:$0x18A00] =	vst v63  }
0x134: {  	v3 =	vld [tilespmem:$0x10];
	_ =	sdelay $0x4  }
0x135: {  	v40 =	vshll.u32 v3, $0x1  }
0x136: {  	v3 =	vand.u32 $0x7, v3;
	v4 =	vand.u32 $0xFFFFFFF0, v40  }
0x137: {  	v3 =	vor.u32 v3, v4  }
0x138: {  	v4 =	vperm.xlane v3, v0;
	_ =	sdelay $0x1  }
0x139: {  	v3 =	vperm.xlane v3, v2;
	v4 =	vadd.s32 v1, v4;
	_ =	sdelay $0x1  }
0x13a: {  	v3 =	vadd.s32 v1, v3;
	_ =	sdelay $0x1  }
0x13b: {  	s31 =	simm.s32 $0x1200  }
0x13c: {  	[tilespmem:s31], [sflag:$0x1] =	stream.indirect_vreg.gather [hbm4b:s1+s3], $0x80, v4, vm0, $0xb8;
	[tilespmem:$0x18A00] =	vst v63  }
0x13d: {  	_ = 	snop  }
0x13e: {  	[tilespmem:s7], [sflag:$0x1] =	stream.indirect_vreg.gather [hbm4b:s1+s3], $0x80, v3, vm0, $0xb8;
	[tilespmem:$0x18A00] =	vst v63  }
0x13f: {  	v3 =	vld [tilespmem:$0x20];
	_ =	sdelay $0x4  }
0x140: {  	v41 =	vshll.u32 v3, $0x1  }
0x141: {  	v3 =	vand.u32 $0x7, v3;
	v4 =	vand.u32 $0xFFFFFFF0, v41  }
0x142: {  	v3 =	vor.u32 v3, v4  }
0x143: {  	v4 =	vperm.xlane v3, v0;
	_ =	sdelay $0x1  }
0x144: {  	v3 =	vperm.xlane v3, v2;
	v4 =	vadd.s32 v1, v4;
	_ =	sdelay $0x1  }
0x145: {  	v3 =	vadd.s32 v1, v3;
	_ =	sdelay $0x2  }
0x146: {  	[tilespmem:s8], [sflag:$0x1] =	stream.indirect_vreg.gather [hbm4b:s1+s3], $0x80, v4, vm0, $0xb8;
	[tilespmem:$0x18A00] =	vst v63  }
0x147: {  	_ = 	snop  }
0x148: {  	[tilespmem:s9], [sflag:$0x1] =	stream.indirect_vreg.gather [hbm4b:s1+s3], $0x80, v3, vm0, $0xb8;
	[tilespmem:$0x18A00] =	vst v63  }
0x149: {  	v3 =	vld [tilespmem:$0x30];
	_ =	sdelay $0x4  }
0x14a: {  	v42 =	vshll.u32 v3, $0x1  }
0x14b: {  	v3 =	vand.u32 $0x7, v3;
	v4 =	vand.u32 $0xFFFFFFF0, v42  }
0x14c: {  	v3 =	vor.u32 v3, v4  }
0x14d: {  	v4 =	vperm.xlane v3, v0;
	_ =	sdelay $0x1  }
0x14e: {  	v3 =	vperm.xlane v3, v2;
	v4 =	vadd.s32 v1, v4;
	_ =	sdelay $0x1  }
0x14f: {  	v3 =	vadd.s32 v1, v3;
	_ =	sdelay $0x2  }
0x150: {  	[tilespmem:s10], [sflag:$0x1] =	stream.indirect_vreg.gather [hbm4b:s1+s3], $0x80, v4, vm0, $0xb8;
	[tilespmem:$0x18A00] =	vst v63  }
0x151: {  	_ = 	snop  }
0x152: {  	[tilespmem:s11], [sflag:$0x1] =	stream.indirect_vreg.gather [hbm4b:s1+s3], $0x80, v3, vm0, $0xb8;
	[tilespmem:$0x18A00] =	vst v63  }
0x153: {  	v3 =	vld [tilespmem:$0x40];
	_ =	sdelay $0x4  }
0x154: {  	v43 =	vshll.u32 v3, $0x1  }
0x155: {  	v3 =	vand.u32 $0x7, v3;
	v4 =	vand.u32 $0xFFFFFFF0, v43  }
0x156: {  	v3 =	vor.u32 v3, v4  }
0x157: {  	v4 =	vperm.xlane v3, v0;
	_ =	sdelay $0x1  }
0x158: {  	v3 =	vperm.xlane v3, v2;
	v4 =	vadd.s32 v1, v4;
	_ =	sdelay $0x1  }
0x159: {  	v3 =	vadd.s32 v1, v3;
	_ =	sdelay $0x2  }
0x15a: {  	[tilespmem:s12], [sflag:$0x1] =	stream.indirect_vreg.gather [hbm4b:s1+s3], $0x80, v4, vm0, $0xb8;
	[tilespmem:$0x18A00] =	vst v63  }
0x15b: {  	_ = 	snop  }
0x15c: {  	[tilespmem:s13], [sflag:$0x1] =	stream.indirect_vreg.gather [hbm4b:s1+s3], $0x80, v3, vm0, $0xb8;
	[tilespmem:$0x18A00] =	vst v63  }
0x15d: {  	v3 =	vld [tilespmem:$0x50];
	_ =	sdelay $0x4  }
0x15e: {  	v44 =	vshll.u32 v3, $0x1  }
0x15f: {  	v3 =	vand.u32 $0x7, v3;
	v4 =	vand.u32 $0xFFFFFFF0, v44  }
0x160: {  	v3 =	vor.u32 v3, v4  }
0x161: {  	v4 =	vperm.xlane v3, v0;
	_ =	sdelay $0x1  }
0x162: {  	v3 =	vperm.xlane v3, v2;
	v4 =	vadd.s32 v1, v4;
	_ =	sdelay $0x1  }
0x163: {  	v3 =	vadd.s32 v1, v3;
	_ =	sdelay $0x2  }
0x164: {  	[tilespmem:s14], [sflag:$0x1] =	stream.indirect_vreg.gather [hbm4b:s1+s3], $0x80, v4, vm0, $0xb8;
	[tilespmem:$0x18A00] =	vst v63  }
0x165: {  	_ = 	snop  }
0x166: {  	[tilespmem:s15], [sflag:$0x1] =	stream.indirect_vreg.gather [hbm4b:s1+s3], $0x80, v3, vm0, $0xb8;
	[tilespmem:$0x18A00] =	vst v63  }
0x167: {  	v3 =	vld [tilespmem:$0x60];
	_ =	sdelay $0x4  }
0x168: {  	v45 =	vshll.u32 v3, $0x1  }
0x169: {  	v3 =	vand.u32 $0x7, v3;
	v4 =	vand.u32 $0xFFFFFFF0, v45  }
0x16a: {  	v3 =	vor.u32 v3, v4  }
0x16b: {  	v4 =	vperm.xlane v3, v0;
	_ =	sdelay $0x1  }
0x16c: {  	v3 =	vperm.xlane v3, v2;
	v4 =	vadd.s32 v1, v4;
	_ =	sdelay $0x1  }
0x16d: {  	v3 =	vadd.s32 v1, v3;
	_ =	sdelay $0x2  }
0x16e: {  	[tilespmem:s16], [sflag:$0x1] =	stream.indirect_vreg.gather [hbm4b:s1+s3], $0x80, v4, vm0, $0xb8;
	[tilespmem:$0x18A00] =	vst v63  }
0x16f: {  	_ = 	snop  }
0x170: {  	[tilespmem:s17], [sflag:$0x1] =	stream.indirect_vreg.gather [hbm4b:s1+s3], $0x80, v3, vm0, $0xb8;
	[tilespmem:$0x18A00] =	vst v63  }
0x171: {  	v3 =	vld [tilespmem:$0x70];
	_ =	sdelay $0x4  }
0x172: {  	v46 =	vshll.u32 v3, $0x1  }
0x173: {  	v3 =	vand.u32 $0x7, v3;
	v4 =	vand.u32 $0xFFFFFFF0, v46  }
0x174: {  	v3 =	vor.u32 v3, v4  }
0x175: {  	v4 =	vperm.xlane v3, v0;
	_ =	sdelay $0x1  }
0x176: {  	v3 =	vperm.xlane v3, v2;
	v4 =	vadd.s32 v1, v4;
	_ =	sdelay $0x1  }
0x177: {  	v3 =	vadd.s32 v1, v3;
	_ =	sdelay $0x2  }
0x178: {  	[tilespmem:s18], [sflag:$0x1] =	stream.indirect_vreg.gather [hbm4b:s1+s3], $0x80, v4, vm0, $0xb8;
	[tilespmem:$0x18A00] =	vst v63  }
0x179: {  	_ = 	snop  }
0x17a: {  	[tilespmem:s19], [sflag:$0x1] =	stream.indirect_vreg.gather [hbm4b:s1+s3], $0x80, v3, vm0, $0xb8;
	[tilespmem:$0x18A00] =	vst v63  }
0x17b: {  	v3 =	vld [tilespmem:$0x80];
	_ =	sdelay $0x4  }
0x17c: {  	v47 =	vshll.u32 v3, $0x1  }
0x17d: {  	v3 =	vand.u32 $0x7, v3;
	v4 =	vand.u32 $0xFFFFFFF0, v47  }
0x17e: {  	v3 =	vor.u32 v3, v4  }
0x17f: {  	v4 =	vperm.xlane v3, v0;
	_ =	sdelay $0x1  }
0x180: {  	v3 =	vperm.xlane v3, v2;
	v4 =	vadd.s32 v1, v4;
	_ =	sdelay $0x1  }
0x181: {  	v3 =	vadd.s32 v1, v3;
	_ =	sdelay $0x2  }
0x182: {  	[tilespmem:s20], [sflag:$0x1] =	stream.indirect_vreg.gather [hbm4b:s1+s3], $0x80, v4, vm0, $0xb8;
	[tilespmem:$0x18A00] =	vst v63  }
0x183: {  	_ = 	snop  }
0x184: {  	[tilespmem:s21], [sflag:$0x1] =	stream.indirect_vreg.gather [hbm4b:s1+s3], $0x80, v3, vm0, $0xb8;
	[tilespmem:$0x18A00] =	vst v63  }
0x185: {  	v3 =	vld [tilespmem:$0x90];
	_ =	sdelay $0x4  }
0x186: {  	v48 =	vshll.u32 v3, $0x1  }
0x187: {  	v3 =	vand.u32 $0x7, v3;
	v4 =	vand.u32 $0xFFFFFFF0, v48  }
0x188: {  	v3 =	vor.u32 v3, v4  }
0x189: {  	v4 =	vperm.xlane v3, v0;
	_ =	sdelay $0x1  }
0x18a: {  	v3 =	vperm.xlane v3, v2;
	v4 =	vadd.s32 v1, v4;
	_ =	sdelay $0x1  }
0x18b: {  	v3 =	vadd.s32 v1, v3;
	_ =	sdelay $0x2  }
0x18c: {  	[tilespmem:s22], [sflag:$0x1] =	stream.indirect_vreg.gather [hbm4b:s1+s3], $0x80, v4, vm0, $0xb8;
	[tilespmem:$0x18A00] =	vst v63  }
0x18d: {  	_ = 	snop  }
0x18e: {  	[tilespmem:s23], [sflag:$0x1] =	stream.indirect_vreg.gather [hbm4b:s1+s3], $0x80, v3, vm0, $0xb8;
	[tilespmem:$0x18A00] =	vst v63  }
0x18f: {  	v3 =	vld [tilespmem:$0xA0];
	_ =	sdelay $0x4  }
0x190: {  	v49 =	vshll.u32 v3, $0x1  }
0x191: {  	v3 =	vand.u32 $0x7, v3;
	v4 =	vand.u32 $0xFFFFFFF0, v49  }
0x192: {  	v3 =	vor.u32 v3, v4  }
0x193: {  	v4 =	vperm.xlane v3, v0;
	_ =	sdelay $0x1  }
0x194: {  	v3 =	vperm.xlane v3, v2;
	v4 =	vadd.s32 v1, v4;
	_ =	sdelay $0x1  }
0x195: {  	v3 =	vadd.s32 v1, v3;
	_ =	sdelay $0x2  }
0x196: {  	[tilespmem:s24], [sflag:$0x1] =	stream.indirect_vreg.gather [hbm4b:s1+s3], $0x80, v4, vm0, $0xb8;
	[tilespmem:$0x18A00] =	vst v63  }
0x197: {  	_ = 	snop  }
0x198: {  	[tilespmem:s25], [sflag:$0x1] =	stream.indirect_vreg.gather [hbm4b:s1+s3], $0x80, v3, vm0, $0xb8;
	[tilespmem:$0x18A00] =	vst v63  }
0x199: {  	v3 =	vld [tilespmem:$0xB0];
	_ =	sdelay $0x4  }
0x19a: {  	v50 =	vshll.u32 v3, $0x1  }
0x19b: {  	v3 =	vand.u32 $0x7, v3;
	v4 =	vand.u32 $0xFFFFFFF0, v50  }
0x19c: {  	v3 =	vor.u32 v3, v4  }
0x19d: {  	v4 =	vperm.xlane v3, v0;
	_ =	sdelay $0x1  }
0x19e: {  	v3 =	vperm.xlane v3, v2;
	v4 =	vadd.s32 v1, v4;
	_ =	sdelay $0x1  }
0x19f: {  	v3 =	vadd.s32 v1, v3;
	_ =	sdelay $0x2  }
0x1a0: {  	[tilespmem:s26], [sflag:$0x1] =	stream.indirect_vreg.gather [hbm4b:s1+s3], $0x80, v4, vm0, $0xb8;
	[tilespmem:$0x18A00] =	vst v63  }
0x1a1: {  	_ = 	snop  }
0x1a2: {  	[tilespmem:s28], [sflag:$0x1] =	stream.indirect_vreg.gather [hbm4b:s1+s3], $0x80, v3, vm0, $0xb8;
	[tilespmem:$0x18A00] =	vst v63  }
0x1a3: {  	v3 =	vld [tilespmem:$0xC0];
	_ =	sdelay $0x4  }
0x1a4: {  	v51 =	vshll.u32 v3, $0x1  }
0x1a5: {  	v3 =	vand.u32 $0x7, v3;
	v4 =	vand.u32 $0xFFFFFFF0, v51  }
0x1a6: {  	v3 =	vor.u32 v3, v4  }
0x1a7: {  	v4 =	vperm.xlane v3, v0;
	_ =	sdelay $0x1  }
0x1a8: {  	v3 =	vperm.xlane v3, v2;
	v4 =	vadd.s32 v1, v4;
	_ =	sdelay $0x1  }
0x1a9: {  	v3 =	vadd.s32 v1, v3;
	_ =	sdelay $0x2  }
0x1aa: {  	[tilespmem:s29], [sflag:$0x1] =	stream.indirect_vreg.gather [hbm4b:s1+s3], $0x80, v4, vm0, $0xb8;
	[tilespmem:$0x18A00] =	vst v63  }
0x1ab: {  	_ = 	snop  }
0x1ac: {  	[tilespmem:s6], [sflag:$0x1] =	stream.indirect_vreg.gather [hbm4b:s1+s3], $0x80, v3, vm0, $0xb8;
	[tilespmem:$0x18A00] =	vst v63  }
0x1ad: {  	v3 =	vld [tilespmem:$0xD0];
	_ =	sdelay $0x4  }
0x1ae: {  	v52 =	vshll.u32 v3, $0x1  }
0x1af: {  	v3 =	vand.u32 $0x7, v3;
	v4 =	vand.u32 $0xFFFFFFF0, v52  }
0x1b0: {  	v3 =	vor.u32 v3, v4  }
0x1b1: {  	v4 =	vperm.xlane v3, v0;
	_ =	sdelay $0x1  }
0x1b2: {  	v3 =	vperm.xlane v3, v2;
	v4 =	vadd.s32 v1, v4;
	_ =	sdelay $0x1  }
0x1b3: {  	v3 =	vadd.s32 v1, v3;
	_ =	sdelay $0x1  }
0x1b4: {  	s31 =	simm.s32 $0xD200  }
0x1b5: {  	[tilespmem:s31], [sflag:$0x1] =	stream.indirect_vreg.gather [hbm4b:s1+s3], $0x80, v4, vm0, $0xb8;
	[tilespmem:$0x18A00] =	vst v63  }
0x1b6: {  	s31 =	simm.s32 $0xDA00  }
0x1b7: {  	[tilespmem:s31], [sflag:$0x1] =	stream.indirect_vreg.gather [hbm4b:s1+s3], $0x80, v3, vm0, $0xb8;
	[tilespmem:$0x18A00] =	vst v63  }
0x1b8: {  	v3 =	vld [tilespmem:$0xE0];
	_ =	sdelay $0x4  }
0x1b9: {  	v53 =	vshll.u32 v3, $0x1  }
0x1ba: {  	v3 =	vand.u32 $0x7, v3;
	v4 =	vand.u32 $0xFFFFFFF0, v53  }
0x1bb: {  	v3 =	vor.u32 v3, v4  }
0x1bc: {  	v4 =	vperm.xlane v3, v0;
	_ =	sdelay $0x1  }
0x1bd: {  	v3 =	vperm.xlane v3, v2;
	v4 =	vadd.s32 v1, v4;
	_ =	sdelay $0x1  }
0x1be: {  	v3 =	vadd.s32 v1, v3;
	_ =	sdelay $0x1  }
0x1bf: {  	s31 =	simm.s32 $0xE200  }
0x1c0: {  	[tilespmem:s31], [sflag:$0x1] =	stream.indirect_vreg.gather [hbm4b:s1+s3], $0x80, v4, vm0, $0xb8;
	[tilespmem:$0x18A00] =	vst v63  }
0x1c1: {  	s31 =	simm.s32 $0xEA00  }
0x1c2: {  	[tilespmem:s31], [sflag:$0x1] =	stream.indirect_vreg.gather [hbm4b:s1+s3], $0x80, v3, vm0, $0xb8;
	[tilespmem:$0x18A00] =	vst v63  }
0x1c3: {  	v3 =	vld [tilespmem:$0xF0];
	_ =	sdelay $0x4  }
0x1c4: {  	v54 =	vshll.u32 v3, $0x1  }
0x1c5: {  	v3 =	vand.u32 $0x7, v3;
	v4 =	vand.u32 $0xFFFFFFF0, v54  }
0x1c6: {  	v3 =	vor.u32 v3, v4  }
0x1c7: {  	v4 =	vperm.xlane v3, v0;
	_ =	sdelay $0x1  }
0x1c8: {  	v3 =	vperm.xlane v3, v2;
	v4 =	vadd.s32 v1, v4;
	_ =	sdelay $0x1  }
0x1c9: {  	v3 =	vadd.s32 v1, v3;
	_ =	sdelay $0x1  }
0x1ca: {  	s31 =	simm.s32 $0xF200  }
0x1cb: {  	[tilespmem:s31], [sflag:$0x1] =	stream.indirect_vreg.gather [hbm4b:s1+s3], $0x80, v4, vm0, $0xb8;
	[tilespmem:$0x18A00] =	vst v63  }
0x1cc: {  	s31 =	simm.s32 $0xFA00  }
0x1cd: {  	[tilespmem:s31], [sflag:$0x1] =	stream.indirect_vreg.gather [hbm4b:s1+s3], $0x80, v3, vm0, $0xb8;
	[tilespmem:$0x18A00] =	vst v63  }
0x1ce: {  	v3 =	vld [tilespmem:$0x100];
	_ =	sdelay $0x4  }
0x1cf: {  	v55 =	vshll.u32 v3, $0x1  }
0x1d0: {  	v3 =	vand.u32 $0x7, v3;
	v4 =	vand.u32 $0xFFFFFFF0, v55  }
0x1d1: {  	v3 =	vor.u32 v3, v4  }
0x1d2: {  	v4 =	vperm.xlane v3, v0;
	_ =	sdelay $0x1  }
0x1d3: {  	v3 =	vperm.xlane v3, v2;
	v4 =	vadd.s32 v1, v4;
	_ =	sdelay $0x1  }
0x1d4: {  	v3 =	vadd.s32 v1, v3;
	_ =	sdelay $0x1  }
0x1d5: {  	s31 =	simm.s32 $0x10200  }
0x1d6: {  	[tilespmem:s31], [sflag:$0x1] =	stream.indirect_vreg.gather [hbm4b:s1+s3], $0x80, v4, vm0, $0xb8;
	[tilespmem:$0x18A00] =	vst v63  }
0x1d7: {  	s31 =	simm.s32 $0x10A00  }
0x1d8: {  	[tilespmem:s31], [sflag:$0x1] =	stream.indirect_vreg.gather [hbm4b:s1+s3], $0x80, v3, vm0, $0xb8;
	[tilespmem:$0x18A00] =	vst v63  }
0x1d9: {  	v3 =	vld [tilespmem:$0x110];
	_ =	sdelay $0x4  }
0x1da: {  	v56 =	vshll.u32 v3, $0x1  }
0x1db: {  	v3 =	vand.u32 $0x7, v3;
	v4 =	vand.u32 $0xFFFFFFF0, v56  }
0x1dc: {  	v3 =	vor.u32 v3, v4  }
0x1dd: {  	v4 =	vperm.xlane v3, v0;
	_ =	sdelay $0x1  }
0x1de: {  	v3 =	vperm.xlane v3, v2;
	v4 =	vadd.s32 v1, v4;
	_ =	sdelay $0x1  }
0x1df: {  	v3 =	vadd.s32 v1, v3;
	_ =	sdelay $0x1  }
0x1e0: {  	s31 =	simm.s32 $0x11200  }
0x1e1: {  	[tilespmem:s31], [sflag:$0x1] =	stream.indirect_vreg.gather [hbm4b:s1+s3], $0x80, v4, vm0, $0xb8;
	[tilespmem:$0x18A00] =	vst v63  }
0x1e2: {  	s31 =	simm.s32 $0x11A00  }
0x1e3: {  	[tilespmem:s31], [sflag:$0x1] =	stream.indirect_vreg.gather [hbm4b:s1+s3], $0x80, v3, vm0, $0xb8;
	[tilespmem:$0x18A00] =	vst v63  }
0x1e4: {  	v3 =	vld [tilespmem:$0x120];
	_ =	sdelay $0x4  }
0x1e5: {  	v57 =	vshll.u32 v3, $0x1  }
0x1e6: {  	v3 =	vand.u32 $0x7, v3;
	v4 =	vand.u32 $0xFFFFFFF0, v57  }
0x1e7: {  	v3 =	vor.u32 v3, v4  }
0x1e8: {  	v4 =	vperm.xlane v3, v0;
	_ =	sdelay $0x1  }
0x1e9: {  	v3 =	vperm.xlane v3, v2;
	v4 =	vadd.s32 v1, v4;
	_ =	sdelay $0x1  }
0x1ea: {  	v3 =	vadd.s32 v1, v3;
	_ =	sdelay $0x1  }
0x1eb: {  	s31 =	simm.s32 $0x12200  }
0x1ec: {  	[tilespmem:s31], [sflag:$0x1] =	stream.indirect_vreg.gather [hbm4b:s1+s3], $0x80, v4, vm0, $0xb8;
	[tilespmem:$0x18A00] =	vst v63  }
0x1ed: {  	s31 =	simm.s32 $0x12A00  }
0x1ee: {  	[tilespmem:s31], [sflag:$0x1] =	stream.indirect_vreg.gather [hbm4b:s1+s3], $0x80, v3, vm0, $0xb8;
	[tilespmem:$0x18A00] =	vst v63  }
0x1ef: {  	v3 =	vld [tilespmem:$0x130];
	_ =	sdelay $0x4  }
0x1f0: {  	v58 =	vshll.u32 v3, $0x1  }
0x1f1: {  	v3 =	vand.u32 $0x7, v3;
	v4 =	vand.u32 $0xFFFFFFF0, v58  }
0x1f2: {  	v3 =	vor.u32 v3, v4  }
0x1f3: {  	v4 =	vperm.xlane v3, v0;
	_ =	sdelay $0x1  }
0x1f4: {  	v3 =	vperm.xlane v3, v2;
	v4 =	vadd.s32 v1, v4;
	_ =	sdelay $0x1  }
0x1f5: {  	v3 =	vadd.s32 v1, v3;
	_ =	sdelay $0x1  }
0x1f6: {  	s31 =	simm.s32 $0x13200  }
0x1f7: {  	[tilespmem:s31], [sflag:$0x1] =	stream.indirect_vreg.gather [hbm4b:s1+s3], $0x80, v4, vm0, $0xb8;
	[tilespmem:$0x18A00] =	vst v63  }
0x1f8: {  	s31 =	simm.s32 $0x13A00  }
0x1f9: {  	[tilespmem:s31], [sflag:$0x1] =	stream.indirect_vreg.gather [hbm4b:s1+s3], $0x80, v3, vm0, $0xb8;
	[tilespmem:$0x18A00] =	vst v63  }
0x1fa: {  	v3 =	vld [tilespmem:$0x140];
	_ =	sdelay $0x4  }
0x1fb: {  	v59 =	vshll.u32 v3, $0x1  }
0x1fc: {  	v3 =	vand.u32 $0x7, v3;
	v4 =	vand.u32 $0xFFFFFFF0, v59  }
0x1fd: {  	v3 =	vor.u32 v3, v4  }
0x1fe: {  	v4 =	vperm.xlane v3, v0;
	_ =	sdelay $0x1  }
0x1ff: {  	v3 =	vperm.xlane v3, v2;
	v4 =	vadd.s32 v1, v4;
	_ =	sdelay $0x1  }
0x200: {  	v3 =	vadd.s32 v1, v3;
	_ =	sdelay $0x1  }
0x201: {  	s31 =	simm.s32 $0x14200  }
0x202: {  	[tilespmem:s31], [sflag:$0x1] =	stream.indirect_vreg.gather [hbm4b:s1+s3], $0x80, v4, vm0, $0xb8;
	[tilespmem:$0x18A00] =	vst v63  }
0x203: {  	s31 =	simm.s32 $0x14A00  }
0x204: {  	[tilespmem:s31], [sflag:$0x1] =	stream.indirect_vreg.gather [hbm4b:s1+s3], $0x80, v3, vm0, $0xb8;
	[tilespmem:$0x18A00] =	vst v63  }
0x205: {  	v3 =	vld [tilespmem:$0x150];
	_ =	sdelay $0x4  }
0x206: {  	v60 =	vshll.u32 v3, $0x1  }
0x207: {  	v3 =	vand.u32 $0x7, v3;
	v4 =	vand.u32 $0xFFFFFFF0, v60  }
0x208: {  	v3 =	vor.u32 v3, v4  }
0x209: {  	v4 =	vperm.xlane v3, v0;
	_ =	sdelay $0x1  }
0x20a: {  	v3 =	vperm.xlane v3, v2;
	v4 =	vadd.s32 v1, v4;
	_ =	sdelay $0x1  }
0x20b: {  	v3 =	vadd.s32 v1, v3;
	_ =	sdelay $0x1  }
0x20c: {  	s31 =	simm.s32 $0x15200  }
0x20d: {  	[tilespmem:s31], [sflag:$0x1] =	stream.indirect_vreg.gather [hbm4b:s1+s3], $0x80, v4, vm0, $0xb8;
	[tilespmem:$0x18A00] =	vst v63  }
0x20e: {  	s31 =	simm.s32 $0x15A00  }
0x20f: {  	[tilespmem:s31], [sflag:$0x1] =	stream.indirect_vreg.gather [hbm4b:s1+s3], $0x80, v3, vm0, $0xb8;
	[tilespmem:$0x18A00] =	vst v63  }
0x210: {  	v3 =	vld [tilespmem:$0x160];
	_ =	sdelay $0x4  }
0x211: {  	v61 =	vshll.u32 v3, $0x1  }
0x212: {  	v3 =	vand.u32 $0x7, v3;
	v4 =	vand.u32 $0xFFFFFFF0, v61  }
0x213: {  	v3 =	vor.u32 v3, v4  }
0x214: {  	v4 =	vperm.xlane v3, v0;
	_ =	sdelay $0x1  }
0x215: {  	v3 =	vperm.xlane v3, v2;
	v4 =	vadd.s32 v1, v4;
	_ =	sdelay $0x1  }
0x216: {  	v3 =	vadd.s32 v1, v3;
	_ =	sdelay $0x1  }
0x217: {  	s31 =	simm.s32 $0x16200  }
0x218: {  	[tilespmem:s31], [sflag:$0x1] =	stream.indirect_vreg.gather [hbm4b:s1+s3], $0x80, v4, vm0, $0xb8;
	[tilespmem:$0x18A00] =	vst v63  }
0x219: {  	s31 =	simm.s32 $0x16A00  }
0x21a: {  	[tilespmem:s31], [sflag:$0x1] =	stream.indirect_vreg.gather [hbm4b:s1+s3], $0x80, v3, vm0, $0xb8;
	[tilespmem:$0x18A00] =	vst v63  }
0x21b: {  	v3 =	vld [tilespmem:$0x170];
	_ =	sdelay $0x4  }
0x21c: {  	v62 =	vshll.u32 v3, $0x1  }
0x21d: {  	v3 =	vand.u32 $0x7, v3;
	v4 =	vand.u32 $0xFFFFFFF0, v62  }
0x21e: {  	v3 =	vor.u32 v3, v4  }
0x21f: {  	v4 =	vperm.xlane v3, v0;
	_ =	sdelay $0x1  }
0x220: {  	v3 =	vperm.xlane v3, v2;
	v4 =	vadd.s32 v1, v4;
	_ =	sdelay $0x1  }
0x221: {  	v3 =	vadd.s32 v1, v3;
	_ =	sdelay $0x1  }
0x222: {  	s31 =	simm.s32 $0x17200  }
0x223: {  	[tilespmem:s31], [sflag:$0x1] =	stream.indirect_vreg.gather [hbm4b:s1+s3], $0x80, v4, vm0, $0xb8;
	[tilespmem:$0x18A00] =	vst v63  }
0x224: {  	s31 =	simm.s32 $0x17A00  }
0x225: {  	[tilespmem:s31], [sflag:$0x1] =	stream.indirect_vreg.gather [hbm4b:s1+s3], $0x80, v3, vm0, $0xb8;
	[tilespmem:$0x18A00] =	vst v63  }
0x226: {  	v3 =	vld.msk [tilespmem:$0x180], $0xff;
	_ =	sdelay $0x4  }
0x227: {  	v63 =	vshll.u32 v3, $0x1  }
0x228: {  	v3 =	vand.u32 $0x7, v3;
	v4 =	vand.u32 $0xFFFFFFF0, v63  }
0x229: {  	v3 =	vor.u32 v3, v4  }
0x22a: {  	v3 =	vperm.xlane v3, v0;
	_ =	sdelay $0x1  }
0x22b: {  	v3 =	vadd.s32 v1, v3;
	_ =	sdelay $0x3  }
0x22c: {  	s31 =	simm.s32 $0x18200  }
0x22d: {  	[tilespmem:s31], [sflag:$0x1] =	stream.indirect_vreg.gather [hbm4b:s1+s3], $0x80, v3, vm0, $0xb8;
	[tilespmem:$0x18A00] =	vst v63  }
0x22e: {  	_ =	swait.ge [sflag:s30], $0x18800  }
0x22f: {  	p0 =	sne.s32 s4, $0x1;
	s0 =	simm.s32 $0x200;
	[sflag:s30] =	ssyncset.done $0x0  }
.Ltmp0:
0x230: {  	s31 =	rddreg [dreg:$0x7];
	[sflag:s30] =	ssyncadd.s32 $0xFFFE7800;
	(pc) =	sbr.rel @p0 .LBB2_1-.Ltmp0, $4  }
0x231: {  	[hbm4b:s31+s3] =	stream.linear.scatter [tilespmem:s0], [sflag:$0x2], $0x18800, $0x38;
	[tilespmem:$0x18A00] =	vst v63  }
0x232: {  	_ =	swait.ge [sflag:s5], $0x18800  }
0x233: {  	[sflag:s5] =	ssyncset.done $0x0  }
0x234: {  	s4 =	sadd.s32 $0xFFFFFFFF, s4;
	[sflag:s5] =	ssyncadd.s32 $0xFFFE7800  }
0x235: {  	_ =	sfence.sel $0x180000  }
0x236: {  	[bflag:$0x0] =	sbarrier.arrive $0xFFFF  }
0x237: {  	_ =	strace $0x90000047  }
0x238: {  	s0 =	stileid.u32;
	[bflag:$0x2] =	sbarrier.arrive $0xFFFF  }
0x239: {  	p0 =	sne.s32 s0, $0x0;
	s0 =	rddreg [dreg:$0x3]  }
0x23a: {  	s0 =	sadd.s32 @!p0 $0x100000, s0  }
0x23b: {  	[sflag:s0] =	ssyncadd.tile.s32 @!p0 $0x1;
	_ =	shalt  }
.Lfunc_end2:
_tile_overlayer_lowered:
.L_overlay_start_2:
0x23c: {  	(tag) =	ssettag $0x2  }
0x23d: {  	s0 =	rddreg [dreg:$0x0];
	s2 =	stileid.u32  }
0x23e: {  	s1 =	rddreg [dreg:$0x1];
	p0 =	sne.s32 s2, $0x0  }
0x23f: {  	s3 =	rddreg [dreg:$0x2];
	[bflag:$0x3] =	sbarrier.arrive $0xFFFF;
	s2 =	simm.s32 @!p0 $0x1C02  }
0x240: {  	[timem:s3], [sflag:s2] =	dma.local @!p0 [hbm:s0], s1  }
0x241: {  	s0 =	simm.s32 @!p0 $0x2  }
0x242: {  	_ =	swait.ge @!p0 [sflag:s0], s1  }
0x243: {  	s1 =	ssub.s32 @!p0 $0x0, s1;
	[sflag:s0] =	ssyncset.done @!p0 $0x0  }
0x244: {  	[sflag:s0] =	ssyncadd.s32 @!p0 s1  }
0x245: {  	[bflag:$0x3] =	sbarrier.arrive $0xFFFF  }
0x246: {  	_ =	shalt  }

</sc_bundles>
